<compile_context>
chip_gen: v7x
topology: tpu7x:2x2x1
jax: 0.10.2.dev20260603
libtpu: 0.0.44.dev20260713+nightly
codegen_flags: <defaults>
</compile_context>

<pallas_src>
import functools

import jax
import jax.numpy as jnp
from jax import lax
from jax.experimental import pallas as pl
from jax.experimental.pallas import tpu as pltpu
from jax.experimental.pallas import tpu_sc as plsc

E = 64
D = 1024
F = 1024
N = 2048
TM = 128
NT = N // TM
G = NT + E
RB = 256
NRB = N // RB


def _routing_body(x_ref, wg_ref, bg_ref, pos_ref, meta_ref,
                  run_ref, ti_s, rank_s):
    i = pl.program_id(0)

    @pl.when(i == 0)
    def _init():
        run_ref[...] = jnp.zeros_like(run_ref)

    logits = jnp.dot(x_ref[...], wg_ref[...],
                     preferred_element_type=jnp.float32) + bg_ref[...]
    ti = jnp.argmax(logits, axis=-1).astype(jnp.int32)
    onehot = (ti[:, None] == lax.broadcasted_iota(jnp.int32, (1, E), 1)
              ).astype(jnp.float32)
    r = lax.broadcasted_iota(jnp.int32, (RB, RB), 0)
    c = lax.broadcasted_iota(jnp.int32, (RB, RB), 1)
    ltri = (c < r).astype(jnp.float32)
    prefix = jnp.dot(ltri, onehot, preferred_element_type=jnp.float32)
    totals = run_ref[...]
    rank = jnp.sum((prefix + totals) * onehot, axis=-1)
    ti_s[i] = ti
    rank_s[i] = rank.astype(jnp.int32)
    run_ref[...] = totals + jnp.sum(onehot, axis=0, keepdims=True)

    @pl.when(i == NRB - 1)
    def _finish():
        e_row = lax.broadcasted_iota(jnp.int32, (1, E), 1)
        utri = (lax.broadcasted_iota(jnp.int32, (E, E), 0) <=
                lax.broadcasted_iota(jnp.int32, (E, E), 1)).astype(jnp.float32)
        cnt = run_ref[...]
        end_e = jnp.dot(cnt, utri,
                        preferred_element_type=jnp.float32).astype(jnp.int32)
        cnt_i = cnt.astype(jnp.int32)
        start_e = end_e - cnt_i
        t0 = start_e // TM
        t1 = jnp.where(cnt_i > 0, (end_e - 1) // TM, t0 - 1)
        w_e = jnp.maximum(t1 - t0 + 1, 0)
        cw = jnp.dot(w_e.astype(jnp.float32), utri,
                     preferred_element_type=jnp.float32).astype(jnp.int32)
        cw_excl = cw - w_e
        gid = lax.broadcasted_iota(jnp.int32, (G, 1), 0)
        eg = jnp.sum((cw <= gid).astype(jnp.int32), axis=1,
                     keepdims=True)
        sel = (eg == e_row).astype(jnp.int32)

        def pick(row):
            return jnp.sum(sel * row, axis=1, keepdims=True)

        tile = pick(t0) + (gid - pick(cw_excl))
        total_w = jnp.sum(w_e, axis=1, keepdims=True)
        valid = gid < total_w
        last_e = jnp.max(jnp.where(cnt_i > 0, e_row, 0), axis=1,
                         keepdims=True)
        expert_g = jnp.where(valid, eg, last_e)
        tile_g = jnp.where(valid, tile, NT - 1)
        start_g = jnp.where(valid, pick(start_e), 0)
        end_g = jnp.where(valid, pick(end_e), 0)
        meta_ref[...] = jnp.concatenate(
            [expert_g, tile_g, start_g, end_g], axis=1)
        for j in range(NRB):
            tb = ti_s[j]
            off = jnp.sum(jnp.where(tb[:, None] == e_row, start_e, 0),
                          axis=-1)
            pos_ref[pl.ds(j * RB, RB)] = off + rank_s[j]


def _route(x, Wg, bg):
    return pl.pallas_call(
        _routing_body,
        grid=(NRB,),
        in_specs=[
            pl.BlockSpec((RB, D), lambda i: (i, 0)),
            pl.BlockSpec((D, E), lambda i: (0, 0)),
            pl.BlockSpec((1, E), lambda i: (0, 0)),
        ],
        out_specs=[
            pl.BlockSpec((N,), lambda i: (0,)),
            pl.BlockSpec((G, 4), lambda i: (0, 0)),
        ],
        out_shape=[
            jax.ShapeDtypeStruct((N,), jnp.int32),
            jax.ShapeDtypeStruct((G, 4), jnp.int32),
        ],
        scratch_shapes=[
            pltpu.VMEM((1, E), jnp.float32),
            pltpu.VMEM((NRB, RB), jnp.int32),
            pltpu.VMEM((NRB, RB), jnp.int32),
        ],
    )(x, Wg, bg.reshape(1, E))


def _sc_permute_rows(table, idx, direction):
    info = plsc.get_sparse_core_info()
    nw = info.num_cores * info.num_subcores
    b_per_w = N // nw
    mesh = plsc.VectorSubcoreMesh(core_axis_name="c", subcore_axis_name="s")

    @functools.partial(
        pl.kernel,
        out_type=jax.ShapeDtypeStruct((N, D), jnp.float32),
        mesh=mesh,
        scratch_types=[
            pltpu.VMEM((b_per_w,), jnp.int32),
            pltpu.VMEM((b_per_w, D), jnp.float32),
            pltpu.SemaphoreType.DMA,
        ],
    )
    def permute_kernel(table_hbm, idx_hbm, out_hbm, idx_v, rows_v, sem):
        wid = lax.axis_index("s") * info.num_cores + lax.axis_index("c")
        base = wid * b_per_w
        pltpu.sync_copy(idx_hbm.at[pl.ds(base, b_per_w)], idx_v)
        if direction == "scatter":
            pltpu.sync_copy(table_hbm.at[pl.ds(base, b_per_w)], rows_v)
            pltpu.async_copy(rows_v, out_hbm.at[idx_v], sem).wait()
        else:
            pltpu.async_copy(table_hbm.at[idx_v], rows_v, sem).wait()
            pltpu.sync_copy(rows_v, out_hbm.at[pl.ds(base, b_per_w)])

    return permute_kernel(table, idx)


def _gmm_body(meta_ref, xs_ref, wg_ref, wu_ref, wd_ref, out_ref):
    g = pl.program_id(0)
    start = meta_ref[g, 2]
    end = meta_ref[g, 3]

    @pl.when(start < end)
    def _work():
        tile = meta_ref[g, 1]
        xb = xs_ref[...]
        a = jnp.dot(xb, wg_ref[0], preferred_element_type=jnp.float32)
        b = jnp.dot(xb, wu_ref[0], preferred_element_type=jnp.float32)
        h = a * jax.nn.sigmoid(a) * b
        y = jnp.dot(h, wd_ref[0], preferred_element_type=jnp.float32)
        rows = tile * TM + lax.broadcasted_iota(jnp.int32, (TM, 1), 0)
        mask = (rows >= start) & (rows < end)
        out_ref[...] = jnp.where(mask, y, out_ref[...])


def _gmm(xs, W_gate, W_up, W_down, meta):
    grid_spec = pltpu.PrefetchScalarGridSpec(
        num_scalar_prefetch=1,
        grid=(G,),
        in_specs=[
            pl.BlockSpec((TM, D), lambda g, m: (m[g, 1], 0)),
            pl.BlockSpec((1, D, F), lambda g, m: (m[g, 0], 0, 0)),
            pl.BlockSpec((1, D, F), lambda g, m: (m[g, 0], 0, 0)),
            pl.BlockSpec((1, F, D), lambda g, m: (m[g, 0], 0, 0)),
        ],
        out_specs=pl.BlockSpec((TM, D), lambda g, m: (m[g, 1], 0)),
    )
    return pl.pallas_call(
        _gmm_body,
        grid_spec=grid_spec,
        out_shape=jax.ShapeDtypeStruct((N, D), jnp.float32),
    )(meta, xs, W_gate, W_up, W_down)


def kernel(x, Wg, bg, W_gate, W_up, W_down):
    pos, meta = _route(x, Wg, bg)

    xs = _sc_permute_rows(x, pos, "scatter")
    ys = _gmm(xs, W_gate, W_up, W_down, meta)
    return _sc_permute_rows(ys, pos, "gather")

# --- scband reference (transcript-rebuilt; emitter-appended) ---
"""Pipeline reference for scband-mixture-of-experts-57019985822184 (READ-ONLY COPY).

The authoritative reference and input builder live on the scoring server;
editing this copy changes nothing except your own understanding.
"""

import jax, jax.numpy as jnp
import numpy as np

E = 64        # num_moe_experts
TOPK = 1      # moe_top_k
D = 1024      # hidden_size
F = 1024      # GatedFeedForward intermediate size
N = 2048      # tokens = batch(1) * seq_len(2048)


def setup_inputs(seed: int = 0) -> dict:
    key = jax.random.key(seed)
    ks = jax.random.split(key, 6)
    x = jax.random.normal(ks[0], (N, D), dtype=jnp.float32)
    # gate: nn.Linear(hidden_size, num_experts)
    Wg = jax.random.normal(ks[1], (D, E), dtype=jnp.float32) * 0.02
    bg = jnp.zeros((E,), dtype=jnp.float32)
    # per-expert GatedFeedForward (SwiGLU-style) params, stacked over experts
    W_gate = jax.random.normal(ks[2], (E, D, F), dtype=jnp.float32) * 0.02
    W_up = jax.random.normal(ks[3], (E, D, F), dtype=jnp.float32) * 0.02
    W_down = jax.random.normal(ks[4], (E, F, D), dtype=jnp.float32) * 0.02
    return {"x": x, "Wg": Wg, "bg": bg, "W_gate": W_gate, "W_up": W_up, "W_down": W_down}


def _expert_ffn(xi, wg, wu, wd):
    # GatedFeedForward: down( silu(gate(x)) * up(x) )
    return (jax.nn.silu(xi @ wg) * (xi @ wu)) @ wd


def reference(x, Wg, bg, W_gate, W_up, W_down):
    logits = x @ Wg + bg
    probs = jax.nn.softmax(logits, axis=-1)
    top_w, top_i = jax.lax.top_k(probs, TOPK)
    top_w = top_w / jnp.sum(top_w, axis=-1, keepdims=True)

    num_experts = W_gate.shape[0]

    def body(i, out):
        mask = (top_i == i).astype(top_w.dtype)
        scale = jnp.sum(top_w * mask, axis=-1)
        yi = _expert_ffn(x, W_gate[i], W_up[i], W_down[i])
        return out + scale[:, None] * yi

    out = jax.lax.fori_loop(0, num_experts, body, jnp.zeros_like(x))
    return out

if __name__ == "__main__":
    import jax
    _d = setup_inputs()
    print(jax.jit(kernel)(*tuple(_d.values())))

</pallas_src>

<mosaic_0001>
#map = affine_map<(d0, d1) -> (0, 0)>
#map1 = affine_map<(d0, d1) -> (0)>
module attributes {stable_mosaic.version = 14 : i64} {
  func.func @permute_kernel(%arg0: i32, %arg1: i32, %arg2: memref<2048x1024xf32, #tpu.memory_space<hbm>>, %arg3: memref<2048xi32, #tpu.memory_space<hbm>>, %arg4: memref<2048x1024xf32, #tpu.memory_space<hbm>>, %arg5: memref<64xi32, #tpu.memory_space<vmem>>, %arg6: memref<64x1024xf32, #tpu.memory_space<vmem>>, %arg7: memref<!tpu.dma_semaphore, #tpu.memory_space<semaphore_mem>>) attributes {dimension_semantics = [#tpu.dimension_semantics<core_parallel>, #tpu.dimension_semantics<subcore_parallel>], iteration_bounds = array<i64: 2, 16>, scalar_prefetch = 0 : i64, scratch_operands = 3 : i64, tpu.core_type = #tpu.core_type<sc_vector_subcore>, window_params = [{transform_indices = #map}, {transform_indices = #map1}, {transform_indices = #map}]} {
    %mul3A = arith.constant 2 : i32
    %mul3A_0 = arith.muli %arg1, %mul3A : i32
    %add3A = arith.addi %mul3A_0, %arg0 : i32
    %mul3A_1 = arith.constant 64 : i32
    %mul3A_2 = arith.muli %add3A, %mul3A_1 : i32
    "tpu.region"() ({
      %run_scoped3A = tpu.sem_alloc : memref<!tpu.dma_semaphore, #tpu.memory_space<semaphore_mem>>
      %dma_start3A_7 = tpu.memref_slice %arg3[%mul3A_2] : memref<2048xi32, #tpu.memory_space<hbm>> -> memref<64xi32, #tpu.memory_space<hbm>>
      %dma_start3A_8 = tpu.memref_slice %arg3[%mul3A_2] : memref<2048xi32, #tpu.memory_space<hbm>> -> memref<64xi32, #tpu.memory_space<hbm>>
      tpu.enqueue_dma source(%dma_start3A_8 : memref<64xi32, #tpu.memory_space<hbm>>) target(%arg5 : memref<64xi32, #tpu.memory_space<vmem>>) target_semaphore(%run_scoped3A : memref<!tpu.dma_semaphore, #tpu.memory_space<semaphore_mem>>)
      %dma_wait3A_9 = tpu.memref_slice %arg3[%mul3A_2] : memref<2048xi32, #tpu.memory_space<hbm>> -> memref<64xi32, #tpu.memory_space<hbm>>
      %dma_wait3A_10 = tpu.memref_slice %arg3[%mul3A_2] : memref<2048xi32, #tpu.memory_space<hbm>> -> memref<64xi32, #tpu.memory_space<hbm>>
      tpu.wait_dma2 semaphore(%run_scoped3A : memref<!tpu.dma_semaphore, #tpu.memory_space<semaphore_mem>>) src(%dma_wait3A_10 : memref<64xi32, #tpu.memory_space<hbm>>) dst(%arg5 : memref<64xi32, #tpu.memory_space<vmem>>)
      tpu.yield
    }) : () -> ()
    "tpu.region"() ({
      %run_scoped3A = tpu.sem_alloc : memref<!tpu.dma_semaphore, #tpu.memory_space<semaphore_mem>>
      %dma_start3A_7 = arith.constant 0 : i32
      %dma_start3A_8 = tpu.memref_slice %arg2[%mul3A_2, %dma_start3A_7] : memref<2048x1024xf32, #tpu.memory_space<hbm>> -> memref<64x1024xf32, #tpu.memory_space<hbm>>
      %dma_start3A_9 = arith.constant 0 : i32
      %dma_start3A_10 = tpu.memref_slice %arg2[%mul3A_2, %dma_start3A_9] : memref<2048x1024xf32, #tpu.memory_space<hbm>> -> memref<64x1024xf32, #tpu.memory_space<hbm>>
      tpu.enqueue_dma source(%dma_start3A_10 : memref<64x1024xf32, #tpu.memory_space<hbm>>) target(%arg6 : memref<64x1024xf32, #tpu.memory_space<vmem>>) target_semaphore(%run_scoped3A : memref<!tpu.dma_semaphore, #tpu.memory_space<semaphore_mem>>)
      %dma_wait3A_11 = arith.constant 0 : i32
      %dma_wait3A_12 = tpu.memref_slice %arg2[%mul3A_2, %dma_wait3A_11] : memref<2048x1024xf32, #tpu.memory_space<hbm>> -> memref<64x1024xf32, #tpu.memory_space<hbm>>
      %dma_wait3A_13 = arith.constant 0 : i32
      %dma_wait3A_14 = tpu.memref_slice %arg2[%mul3A_2, %dma_wait3A_13] : memref<2048x1024xf32, #tpu.memory_space<hbm>> -> memref<64x1024xf32, #tpu.memory_space<hbm>>
      tpu.wait_dma2 semaphore(%run_scoped3A : memref<!tpu.dma_semaphore, #tpu.memory_space<semaphore_mem>>) src(%dma_wait3A_14 : memref<64x1024xf32, #tpu.memory_space<hbm>>) dst(%arg6 : memref<64x1024xf32, #tpu.memory_space<vmem>>)
      tpu.yield
    }) : () -> ()
    %dma_start3A = arith.constant 0 : i32
    %dma_start3A_3 = arith.constant 0 : i32
    %dma_start3A_4 = tpu.memref_slice %arg4[%dma_start3A, %dma_start3A_3] : memref<2048x1024xf32, #tpu.memory_space<hbm>> -> memref<2048x1024xf32, #tpu.memory_space<hbm>>
    tpu.enqueue_indirect_dma source(%arg6 : memref<64x1024xf32, #tpu.memory_space<vmem>>) target(%dma_start3A_4 : memref<2048x1024xf32, #tpu.memory_space<hbm>>) offsets(%arg5 : memref<64xi32, #tpu.memory_space<vmem>>) semaphore(%arg7 : memref<!tpu.dma_semaphore, #tpu.memory_space<semaphore_mem>>)
    %dma_wait3A = arith.constant 0 : i32
    %dma_wait3A_5 = arith.constant 0 : i32
    %dma_wait3A_6 = tpu.memref_slice %arg4[%dma_wait3A, %dma_wait3A_5] : memref<2048x1024xf32, #tpu.memory_space<hbm>> -> memref<2048x1024xf32, #tpu.memory_space<hbm>>
    tpu.wait_indirect_dma semaphore(%arg7 : memref<!tpu.dma_semaphore, #tpu.memory_space<semaphore_mem>>) src(%arg6 : memref<64x1024xf32, #tpu.memory_space<vmem>>) dst(%dma_wait3A_6 : memref<2048x1024xf32, #tpu.memory_space<hbm>>)
    return
  }
}

#map = affine_map<(d0, d1) -> (0, 0)>
#map1 = affine_map<(d0, d1) -> (0)>
module attributes {stable_mosaic.version = 14 : i64} {
  func.func @permute_kernel(%arg0: i32, %arg1: i32, %arg2: memref<2048x1024xf32, #tpu.memory_space<hbm>>, %arg3: memref<2048xi32, #tpu.memory_space<hbm>>, %arg4: memref<2048x1024xf32, #tpu.memory_space<hbm>>, %arg5: memref<64xi32, #tpu.memory_space<vmem>>, %arg6: memref<64x1024xf32, #tpu.memory_space<vmem>>, %arg7: memref<!tpu.dma_semaphore, #tpu.memory_space<semaphore_mem>>) attributes {dimension_semantics = [#tpu.dimension_semantics<core_parallel>, #tpu.dimension_semantics<subcore_parallel>], iteration_bounds = array<i64: 2, 16>, scalar_prefetch = 0 : i64, scratch_operands = 3 : i64, tpu.core_type = #tpu.core_type<sc_vector_subcore>, window_params = [{transform_indices = #map}, {transform_indices = #map1}, {transform_indices = #map}]} {
    %mul3A = arith.constant 2 : i32
    %mul3A_0 = arith.muli %arg1, %mul3A : i32
    %add3A = arith.addi %mul3A_0, %arg0 : i32
    %mul3A_1 = arith.constant 64 : i32
    %mul3A_2 = arith.muli %add3A, %mul3A_1 : i32
    "tpu.region"() ({
      %run_scoped3A = tpu.sem_alloc : memref<!tpu.dma_semaphore, #tpu.memory_space<semaphore_mem>>
      %dma_start3A_7 = tpu.memref_slice %arg3[%mul3A_2] : memref<2048xi32, #tpu.memory_space<hbm>> -> memref<64xi32, #tpu.memory_space<hbm>>
      %dma_start3A_8 = tpu.memref_slice %arg3[%mul3A_2] : memref<2048xi32, #tpu.memory_space<hbm>> -> memref<64xi32, #tpu.memory_space<hbm>>
      tpu.enqueue_dma source(%dma_start3A_8 : memref<64xi32, #tpu.memory_space<hbm>>) target(%arg5 : memref<64xi32, #tpu.memory_space<vmem>>) target_semaphore(%run_scoped3A : memref<!tpu.dma_semaphore, #tpu.memory_space<semaphore_mem>>)
      %dma_wait3A_9 = tpu.memref_slice %arg3[%mul3A_2] : memref<2048xi32, #tpu.memory_space<hbm>> -> memref<64xi32, #tpu.memory_space<hbm>>
      %dma_wait3A_10 = tpu.memref_slice %arg3[%mul3A_2] : memref<2048xi32, #tpu.memory_space<hbm>> -> memref<64xi32, #tpu.memory_space<hbm>>
      tpu.wait_dma2 semaphore(%run_scoped3A : memref<!tpu.dma_semaphore, #tpu.memory_space<semaphore_mem>>) src(%dma_wait3A_10 : memref<64xi32, #tpu.memory_space<hbm>>) dst(%arg5 : memref<64xi32, #tpu.memory_space<vmem>>)
      tpu.yield
    }) : () -> ()
    %dma_start3A = arith.constant 0 : i32
    %dma_start3A_3 = arith.constant 0 : i32
    %dma_start3A_4 = tpu.memref_slice %arg2[%dma_start3A, %dma_start3A_3] : memref<2048x1024xf32, #tpu.memory_space<hbm>> -> memref<2048x1024xf32, #tpu.memory_space<hbm>>
    tpu.enqueue_indirect_dma source(%dma_start3A_4 : memref<2048x1024xf32, #tpu.memory_space<hbm>>) target(%arg6 : memref<64x1024xf32, #tpu.memory_space<vmem>>) offsets(%arg5 : memref<64xi32, #tpu.memory_space<vmem>>) semaphore(%arg7 : memref<!tpu.dma_semaphore, #tpu.memory_space<semaphore_mem>>)
    %dma_wait3A = arith.constant 0 : i32
    %dma_wait3A_5 = arith.constant 0 : i32
    %dma_wait3A_6 = tpu.memref_slice %arg2[%dma_wait3A, %dma_wait3A_5] : memref<2048x1024xf32, #tpu.memory_space<hbm>> -> memref<2048x1024xf32, #tpu.memory_space<hbm>>
    tpu.wait_indirect_dma semaphore(%arg7 : memref<!tpu.dma_semaphore, #tpu.memory_space<semaphore_mem>>) src(%dma_wait3A_6 : memref<2048x1024xf32, #tpu.memory_space<hbm>>) dst(%arg6 : memref<64x1024xf32, #tpu.memory_space<vmem>>)
    "tpu.region"() ({
      %run_scoped3A = tpu.sem_alloc : memref<!tpu.dma_semaphore, #tpu.memory_space<semaphore_mem>>
      %dma_start3A_7 = arith.constant 0 : i32
      %dma_start3A_8 = tpu.memref_slice %arg4[%mul3A_2, %dma_start3A_7] : memref<2048x1024xf32, #tpu.memory_space<hbm>> -> memref<64x1024xf32, #tpu.memory_space<hbm>>
      %dma_start3A_9 = arith.constant 0 : i32
      %dma_start3A_10 = tpu.memref_slice %arg4[%mul3A_2, %dma_start3A_9] : memref<2048x1024xf32, #tpu.memory_space<hbm>> -> memref<64x1024xf32, #tpu.memory_space<hbm>>
      tpu.enqueue_dma source(%arg6 : memref<64x1024xf32, #tpu.memory_space<vmem>>) target(%dma_start3A_10 : memref<64x1024xf32, #tpu.memory_space<hbm>>) target_semaphore(%run_scoped3A : memref<!tpu.dma_semaphore, #tpu.memory_space<semaphore_mem>>)
      %dma_wait3A_11 = arith.constant 0 : i32
      %dma_wait3A_12 = tpu.memref_slice %arg4[%mul3A_2, %dma_wait3A_11] : memref<2048x1024xf32, #tpu.memory_space<hbm>> -> memref<64x1024xf32, #tpu.memory_space<hbm>>
      %dma_wait3A_13 = arith.constant 0 : i32
      %dma_wait3A_14 = tpu.memref_slice %arg4[%mul3A_2, %dma_wait3A_13] : memref<2048x1024xf32, #tpu.memory_space<hbm>> -> memref<64x1024xf32, #tpu.memory_space<hbm>>
      tpu.wait_dma2 semaphore(%run_scoped3A : memref<!tpu.dma_semaphore, #tpu.memory_space<semaphore_mem>>) src(%arg6 : memref<64x1024xf32, #tpu.memory_space<vmem>>) dst(%dma_wait3A_14 : memref<64x1024xf32, #tpu.memory_space<hbm>>)
      tpu.yield
    }) : () -> ()
    return
  }
}

module attributes {stable_mosaic.version = 14 : i64} {
  func.func @_routing_body(%arg0: i32, %arg1: memref<256x1024xf32, #tpu.memory_space<vmem>>, %arg2: memref<1024x64xf32, #tpu.memory_space<vmem>>, %arg3: memref<1x64xf32, #tpu.memory_space<vmem>>, %arg4: memref<2048xi32, #tpu.memory_space<vmem>>, %arg5: memref<80x4xi32, #tpu.memory_space<vmem>>, %arg6: memref<1x64xf32, #tpu.memory_space<vmem>>, %arg7: memref<8x256xi32, #tpu.memory_space<vmem>>, %arg8: memref<8x256xi32, #tpu.memory_space<vmem>>) attributes {dimension_semantics = [#tpu.dimension_semantics<arbitrary>], iteration_bounds = array<i64: 8>, scalar_prefetch = 0 : i64, scratch_operands = 3 : i64, tpu.core_type = #tpu.core_type<tc>, window_params = [{transform_indices = @transform_0, window_bounds = array<i64: 256, 1024>}, {pipeline_mode = #tpu.pipeline_mode<synchronous>, transform_indices = @transform_1, window_bounds = array<i64: 1024, 64>}, {pipeline_mode = #tpu.pipeline_mode<synchronous>, transform_indices = @transform_2, window_bounds = array<i64: 1, 64>}, {pipeline_mode = #tpu.pipeline_mode<synchronous>, transform_indices = @transform_3, window_bounds = array<i64: 2048>}, {pipeline_mode = #tpu.pipeline_mode<synchronous>, transform_indices = @transform_4, window_bounds = array<i64: 80, 4>}]} {
    %eq3A = arith.constant 0 : i32
    %eq3A_0 = arith.cmpi eq, %arg0, %eq3A : i32
    %convert_element_type3A = arith.extui %eq3A_0 : i1 to i32
    %cond3A = arith.constant 0 : i32
    %cond3A_1 = arith.cmpi ne, %convert_element_type3A, %cond3A : i32
    scf.if %cond3A_1 {
      %broadcast_in_dim3A_51 = arith.constant 0.000000e+00 : f32
      %broadcast_in_dim3A_52 = vector.broadcast %broadcast_in_dim3A_51 : f32 to vector<1x64xf32>
      %swap3A_53 = arith.constant 0 : index
      %swap3A_54 = arith.constant 0 : index
      %swap3A_55 = vector.load %arg6[%swap3A_53, %swap3A_54] : memref<1x64xf32, #tpu.memory_space<vmem>>, vector<1x64xf32>
      tpu.vector_store %arg6[%swap3A_53, %swap3A_54], %broadcast_in_dim3A_52 {strides = array<i32>} : memref<1x64xf32, #tpu.memory_space<vmem>>, vector<1x64xf32>,
    } else {
    }
    %get3A = arith.constant 0 : index
    %get3A_2 = arith.constant 0 : index
    %get3A_3 = vector.load %arg1[%get3A, %get3A_2] : memref<256x1024xf32, #tpu.memory_space<vmem>>, vector<256x1024xf32>
    %get3A_4 = arith.constant 0 : index
    %get3A_5 = arith.constant 0 : index
    %get3A_6 = vector.load %arg2[%get3A_4, %get3A_5] : memref<1024x64xf32, #tpu.memory_space<vmem>>, vector<1024x64xf32>
    %dot_general3A = arith.constant dense<0.000000e+00> : vector<256x64xf32>
    %dot_general3A_7 = tpu.matmul %get3A_3, %get3A_6, %dot_general3A {dimension_numbers = #tpu.dot_dimension_numbers<[1], [0], [0], [1], [0, 0, 1, 1], [], []>, transpose_lhs_hint = false} : vector<256x1024xf32>, vector<1024x64xf32>, vector<256x64xf32> -> vector<256x64xf32>
    %get3A_8 = arith.constant 0 : index
    %get3A_9 = arith.constant 0 : index
    %get3A_10 = vector.load %arg3[%get3A_8, %get3A_9] : memref<1x64xf32, #tpu.memory_space<vmem>>, vector<1x64xf32>
    %add3A = vector.broadcast %get3A_10 : vector<1x64xf32> to vector<256x64xf32>
    %add3A_11 = arith.addf %dot_general3A_7, %add3A : vector<256x64xf32>
    %argmax3A = tpu.reduce_index %add3A_11 {axis = 1 : i32, kind = #tpu.reduction_kind<arg_max>} : vector<256x64xf32> -> vector<256xi32>
    %broadcast_in_dim3A = vector.shape_cast %argmax3A : vector<256xi32> to vector<256x1xi32>
    %iota3A = tpu.iota {dimensions = array<i32: 1>} : vector<1x64xi32>
    %eq3A_12 = vector.broadcast %broadcast_in_dim3A : vector<256x1xi32> to vector<256x64xi32>
    %eq3A_13 = vector.broadcast %iota3A : vector<1x64xi32> to vector<256x64xi32>
    %eq3A_14 = arith.cmpi eq, %eq3A_12, %eq3A_13 : vector<256x64xi32>
    %convert_element_type3A_15 = arith.extui %eq3A_14 : vector<256x64xi1> to vector<256x64xi32>
    %convert_element_type3A_16 = arith.sitofp %convert_element_type3A_15 : vector<256x64xi32> to vector<256x64xf32>
    %iota3A_17 = tpu.iota {dimensions = array<i32: 0>} : vector<256x256xi32>
    %iota3A_18 = tpu.iota {dimensions = array<i32: 1>} : vector<256x256xi32>
    %lt3A = arith.cmpi slt, %iota3A_18, %iota3A_17 : vector<256x256xi32>
    %convert_element_type3A_19 = arith.extui %lt3A : vector<256x256xi1> to vector<256x256xi32>
    %convert_element_type3A_20 = arith.sitofp %convert_element_type3A_19 : vector<256x256xi32> to vector<256x256xf32>
    %dot_general3A_21 = arith.constant dense<0.000000e+00> : vector<256x64xf32>
    %dot_general3A_22 = tpu.matmul %convert_element_type3A_20, %convert_element_type3A_16, %dot_general3A_21 {dimension_numbers = #tpu.dot_dimension_numbers<[1], [0], [0], [1], [0, 0, 1, 1], [], []>, transpose_lhs_hint = false} : vector<256x256xf32>, vector<256x64xf32>, vector<256x64xf32> -> vector<256x64xf32>
    %get3A_23 = arith.constant 0 : index
    %get3A_24 = arith.constant 0 : index
    %get3A_25 = vector.load %arg6[%get3A_23, %get3A_24] : memref<1x64xf32, #tpu.memory_space<vmem>>, vector<1x64xf32>
    %add3A_26 = vector.broadcast %get3A_25 : vector<1x64xf32> to vector<256x64xf32>
    %add3A_27 = arith.addf %dot_general3A_22, %add3A_26 : vector<256x64xf32>
    %mul3A = arith.mulf %add3A_27, %convert_element_type3A_16 : vector<256x64xf32>
    %reduce_sum3A = arith.constant dense<0.000000e+00> : vector<256xf32>
    %reduce_sum3A_28 = vector.multi_reduction <add>, %mul3A, %reduce_sum3A [1] : vector<256x64xf32> to vector<256xf32>
    %swap3A = arith.index_cast %arg0 : i32 to index
    %swap3A_29 = arith.constant 0 : index
    %swap3A_30 = vector.load %arg7[%swap3A, %swap3A_29] : memref<8x256xi32, #tpu.memory_space<vmem>>, vector<1x256xi32>
    %swap3A_31 = vector.shape_cast %swap3A_30 : vector<1x256xi32> to vector<256xi32>
    %swap3A_32 = vector.shape_cast %argmax3A : vector<256xi32> to vector<1x256xi32>
    tpu.vector_store %arg7[%swap3A, %swap3A_29], %swap3A_32 {strides = array<i32>} : memref<8x256xi32, #tpu.memory_space<vmem>>, vector<1x256xi32>,
    %convert_element_type3A_33 = arith.fptosi %reduce_sum3A_28 : vector<256xf32> to vector<256xi32>
    %swap3A_34 = arith.index_cast %arg0 : i32 to index
    %swap3A_35 = arith.constant 0 : index
    %swap3A_36 = vector.load %arg8[%swap3A_34, %swap3A_35] : memref<8x256xi32, #tpu.memory_space<vmem>>, vector<1x256xi32>
    %swap3A_37 = vector.shape_cast %swap3A_36 : vector<1x256xi32> to vector<256xi32>
    %swap3A_38 = vector.shape_cast %convert_element_type3A_33 : vector<256xi32> to vector<1x256xi32>
    tpu.vector_store %arg8[%swap3A_34, %swap3A_35], %swap3A_38 {strides = array<i32>} : memref<8x256xi32, #tpu.memory_space<vmem>>, vector<1x256xi32>,
    %reduce_sum3A_39 = arith.constant dense<0.000000e+00> : vector<64xf32>
    %reduce_sum3A_40 = vector.multi_reduction <add>, %convert_element_type3A_16, %reduce_sum3A_39 [0] : vector<256x64xf32> to vector<64xf32>
    %broadcast_in_dim3A_41 = vector.shape_cast %reduce_sum3A_40 : vector<64xf32> to vector<1x64xf32>
    %add3A_42 = arith.addf %get3A_25, %broadcast_in_dim3A_41 : vector<1x64xf32>
    %swap3A_43 = arith.constant 0 : index
    %swap3A_44 = arith.constant 0 : index
    %swap3A_45 = vector.load %arg6[%swap3A_43, %swap3A_44] : memref<1x64xf32, #tpu.memory_space<vmem>>, vector<1x64xf32>
    tpu.vector_store %arg6[%swap3A_43, %swap3A_44], %add3A_42 {strides = array<i32>} : memref<1x64xf32, #tpu.memory_space<vmem>>, vector<1x64xf32>,
    %eq3A_46 = arith.constant 7 : i32
    %eq3A_47 = arith.cmpi eq, %arg0, %eq3A_46 : i32
    %convert_element_type3A_48 = arith.extui %eq3A_47 : i1 to i32
    %cond3A_49 = arith.constant 0 : i32
    %cond3A_50 = arith.cmpi ne, %convert_element_type3A_48, %cond3A_49 : i32
    scf.if %cond3A_50 {
      %iota3A_51 = tpu.iota {dimensions = array<i32: 1>} : vector<1x64xi32>
      %iota3A_52 = tpu.iota {dimensions = array<i32: 0>} : vector<64x64xi32>
      %iota3A_53 = tpu.iota {dimensions = array<i32: 1>} : vector<64x64xi32>
      %le3A = arith.cmpi sle, %iota3A_52, %iota3A_53 : vector<64x64xi32>
      %convert_element_type3A_54 = arith.extui %le3A : vector<64x64xi1> to vector<64x64xi32>
      %convert_element_type3A_55 = arith.sitofp %convert_element_type3A_54 : vector<64x64xi32> to vector<64x64xf32>
      %get3A_56 = arith.constant 0 : index
      %get3A_57 = arith.constant 0 : index
      %get3A_58 = vector.load %arg6[%get3A_56, %get3A_57] : memref<1x64xf32, #tpu.memory_space<vmem>>, vector<1x64xf32>
      %dot_general3A_59 = arith.constant dense<0.000000e+00> : vector<1x64xf32>
      %dot_general3A_60 = tpu.matmul %get3A_58, %convert_element_type3A_55, %dot_general3A_59 {dimension_numbers = #tpu.dot_dimension_numbers<[1], [0], [0], [1], [0, 0, 1, 1], [], []>, transpose_lhs_hint = false} : vector<1x64xf32>, vector<64x64xf32>, vector<1x64xf32> -> vector<1x64xf32>
      %convert_element_type3A_61 = arith.fptosi %dot_general3A_60 : vector<1x64xf32> to vector<1x64xi32>
      %convert_element_type3A_62 = arith.fptosi %get3A_58 : vector<1x64xf32> to vector<1x64xi32>
      %sub3A = arith.subi %convert_element_type3A_61, %convert_element_type3A_62 : vector<1x64xi32>
      %jit3A = arith.constant 128 : i32
      %div3A = vector.broadcast %jit3A : i32 to vector<1x64xi32>
      %div3A_63 = arith.divsi %sub3A, %div3A : vector<1x64xi32>
      %sign3A = arith.constant 0 : i32
      %sign3A_64 = vector.broadcast %sign3A : i32 to vector<1x64xi32>
      %sign3A_65 = arith.cmpi sgt, %sub3A, %sign3A_64 : vector<1x64xi32>
      %sign3A_66 = arith.extui %sign3A_65 : vector<1x64xi1> to vector<1x64xi32>
      %sign3A_67 = arith.constant 0 : i32
      %sign3A_68 = vector.broadcast %sign3A_67 : i32 to vector<1x64xi32>
      %sign3A_69 = arith.cmpi slt, %sub3A, %sign3A_68 : vector<1x64xi32>
      %sign3A_70 = arith.extui %sign3A_69 : vector<1x64xi1> to vector<1x64xi32>
      %sign3A_71 = arith.subi %sign3A_66, %sign3A_70 : vector<1x64xi32>
      %sign3A_72 = arith.constant 0 : i32
      %sign3A_73 = arith.cmpi sgt, %jit3A, %sign3A_72 : i32
      %sign3A_74 = arith.extui %sign3A_73 : i1 to i32
      %sign3A_75 = arith.constant 0 : i32
      %sign3A_76 = arith.cmpi slt, %jit3A, %sign3A_75 : i32
      %sign3A_77 = arith.extui %sign3A_76 : i1 to i32
      %sign3A_78 = arith.subi %sign3A_74, %sign3A_77 : i32
      %ne3A = vector.broadcast %sign3A_78 : i32 to vector<1x64xi32>
      %ne3A_79 = arith.cmpi ne, %sign3A_71, %ne3A : vector<1x64xi32>
      %rem3A = vector.broadcast %jit3A : i32 to vector<1x64xi32>
      %rem3A_80 = arith.remsi %sub3A, %rem3A : vector<1x64xi32>
      %ne3A_81 = arith.constant 0 : i32
      %ne3A_82 = vector.broadcast %ne3A_81 : i32 to vector<1x64xi32>
      %ne3A_83 = arith.cmpi ne, %rem3A_80, %ne3A_82 : vector<1x64xi32>
      %and3A = arith.andi %ne3A_79, %ne3A_83 : vector<1x64xi1>
      %sub3A_84 = arith.constant 1 : i32
      %sub3A_85 = vector.broadcast %sub3A_84 : i32 to vector<1x64xi32>
      %sub3A_86 = arith.subi %div3A_63, %sub3A_85 : vector<1x64xi32>
      %select_n3A = arith.select %and3A, %sub3A_86, %div3A_63 : vector<1x64xi1>, vector<1x64xi32>
      %gt3A = arith.constant 0 : i32
      %gt3A_87 = vector.broadcast %gt3A : i32 to vector<1x64xi32>
      %gt3A_88 = arith.cmpi sgt, %convert_element_type3A_62, %gt3A_87 : vector<1x64xi32>
      %sub3A_89 = arith.constant 1 : i32
      %sub3A_90 = vector.broadcast %sub3A_89 : i32 to vector<1x64xi32>
      %sub3A_91 = arith.subi %convert_element_type3A_61, %sub3A_90 : vector<1x64xi32>
      %jit3A_92 = arith.constant 128 : i32
      %div3A_93 = vector.broadcast %jit3A_92 : i32 to vector<1x64xi32>
      %div3A_94 = arith.divsi %sub3A_91, %div3A_93 : vector<1x64xi32>
      %sign3A_95 = arith.constant 0 : i32
      %sign3A_96 = vector.broadcast %sign3A_95 : i32 to vector<1x64xi32>
      %sign3A_97 = arith.cmpi sgt, %sub3A_91, %sign3A_96 : vector<1x64xi32>
      %sign3A_98 = arith.extui %sign3A_97 : vector<1x64xi1> to vector<1x64xi32>
      %sign3A_99 = arith.constant 0 : i32
      %sign3A_100 = vector.broadcast %sign3A_99 : i32 to vector<1x64xi32>
      %sign3A_101 = arith.cmpi slt, %sub3A_91, %sign3A_100 : vector<1x64xi32>
      %sign3A_102 = arith.extui %sign3A_101 : vector<1x64xi1> to vector<1x64xi32>
      %sign3A_103 = arith.subi %sign3A_98, %sign3A_102 : vector<1x64xi32>
      %sign3A_104 = arith.constant 0 : i32
      %sign3A_105 = arith.cmpi sgt, %jit3A_92, %sign3A_104 : i32
      %sign3A_106 = arith.extui %sign3A_105 : i1 to i32
      %sign3A_107 = arith.constant 0 : i32
      %sign3A_108 = arith.cmpi slt, %jit3A_92, %sign3A_107 : i32
      %sign3A_109 = arith.extui %sign3A_108 : i1 to i32
      %sign3A_110 = arith.subi %sign3A_106, %sign3A_109 : i32
      %ne3A_111 = vector.broadcast %sign3A_110 : i32 to vector<1x64xi32>
      %ne3A_112 = arith.cmpi ne, %sign3A_103, %ne3A_111 : vector<1x64xi32>
      %rem3A_113 = vector.broadcast %jit3A_92 : i32 to vector<1x64xi32>
      %rem3A_114 = arith.remsi %sub3A_91, %rem3A_113 : vector<1x64xi32>
      %ne3A_115 = arith.constant 0 : i32
      %ne3A_116 = vector.broadcast %ne3A_115 : i32 to vector<1x64xi32>
      %ne3A_117 = arith.cmpi ne, %rem3A_114, %ne3A_116 : vector<1x64xi32>
      %and3A_118 = arith.andi %ne3A_112, %ne3A_117 : vector<1x64xi1>
      %sub3A_119 = arith.constant 1 : i32
      %sub3A_120 = vector.broadcast %sub3A_119 : i32 to vector<1x64xi32>
      %sub3A_121 = arith.subi %div3A_94, %sub3A_120 : vector<1x64xi32>
      %select_n3A_122 = arith.select %and3A_118, %sub3A_121, %div3A_94 : vector<1x64xi1>, vector<1x64xi32>
      %sub3A_123 = arith.constant 1 : i32
      %sub3A_124 = vector.broadcast %sub3A_123 : i32 to vector<1x64xi32>
      %sub3A_125 = arith.subi %select_n3A, %sub3A_124 : vector<1x64xi32>
      %select_n3A_126 = arith.select %gt3A_88, %select_n3A_122, %sub3A_125 : vector<1x64xi1>, vector<1x64xi32>
      %sub3A_127 = arith.subi %select_n3A_126, %select_n3A : vector<1x64xi32>
      %add3A_128 = arith.constant 1 : i32
      %add3A_129 = vector.broadcast %add3A_128 : i32 to vector<1x64xi32>
      %add3A_130 = arith.addi %sub3A_127, %add3A_129 : vector<1x64xi32>
      %max3A = arith.constant 0 : i32
      %max3A_131 = vector.broadcast %max3A : i32 to vector<1x64xi32>
      %max3A_132 = arith.maxsi %add3A_130, %max3A_131 : vector<1x64xi32>
      %convert_element_type3A_133 = arith.sitofp %max3A_132 : vector<1x64xi32> to vector<1x64xf32>
      %dot_general3A_134 = arith.constant dense<0.000000e+00> : vector<1x64xf32>
      %dot_general3A_135 = tpu.matmul %convert_element_type3A_133, %convert_element_type3A_55, %dot_general3A_134 {dimension_numbers = #tpu.dot_dimension_numbers<[1], [0], [0], [1], [0, 0, 1, 1], [], []>, transpose_lhs_hint = false} : vector<1x64xf32>, vector<64x64xf32>, vector<1x64xf32> -> vector<1x64xf32>
      %convert_element_type3A_136 = arith.fptosi %dot_general3A_135 : vector<1x64xf32> to vector<1x64xi32>
      %sub3A_137 = arith.subi %convert_element_type3A_136, %max3A_132 : vector<1x64xi32>
      %iota3A_138 = tpu.iota {dimensions = array<i32: 0>} : vector<80x1xi32>
      %le3A_139 = vector.broadcast %convert_element_type3A_136 : vector<1x64xi32> to vector<80x64xi32>
      %le3A_140 = vector.broadcast %iota3A_138 : vector<80x1xi32> to vector<80x64xi32>
      %le3A_141 = arith.cmpi sle, %le3A_139, %le3A_140 : vector<80x64xi32>
      %convert_element_type3A_142 = arith.extui %le3A_141 : vector<80x64xi1> to vector<80x64xi32>
      %reduce_sum3A_143 = arith.constant dense<0> : vector<80xi32>
      %reduce_sum3A_144 = vector.multi_reduction <add>, %convert_element_type3A_142, %reduce_sum3A_143 [1] : vector<80x64xi32> to vector<80xi32>
      %broadcast_in_dim3A_145 = vector.shape_cast %reduce_sum3A_144 : vector<80xi32> to vector<80x1xi32>
      %eq3A_146 = vector.broadcast %broadcast_in_dim3A_145 : vector<80x1xi32> to vector<80x64xi32>
      %eq3A_147 = vector.broadcast %iota3A_51 : vector<1x64xi32> to vector<80x64xi32>
      %eq3A_148 = arith.cmpi eq, %eq3A_146, %eq3A_147 : vector<80x64xi32>
      %convert_element_type3A_149 = arith.extui %eq3A_148 : vector<80x64xi1> to vector<80x64xi32>
      %mul3A_150 = vector.broadcast %select_n3A : vector<1x64xi32> to vector<80x64xi32>
      %mul3A_151 = arith.muli %convert_element_type3A_149, %mul3A_150 : vector<80x64xi32>
      %reduce_sum3A_152 = arith.constant dense<0> : vector<80xi32>
      %reduce_sum3A_153 = vector.multi_reduction <add>, %mul3A_151, %reduce_sum3A_152 [1] : vector<80x64xi32> to vector<80xi32>
      %broadcast_in_dim3A_154 = vector.shape_cast %reduce_sum3A_153 : vector<80xi32> to vector<80x1xi32>
      %mul3A_155 = vector.broadcast %sub3A_137 : vector<1x64xi32> to vector<80x64xi32>
      %mul3A_156 = arith.muli %convert_element_type3A_149, %mul3A_155 : vector<80x64xi32>
      %reduce_sum3A_157 = arith.constant dense<0> : vector<80xi32>
      %reduce_sum3A_158 = vector.multi_reduction <add>, %mul3A_156, %reduce_sum3A_157 [1] : vector<80x64xi32> to vector<80xi32>
      %broadcast_in_dim3A_159 = vector.shape_cast %reduce_sum3A_158 : vector<80xi32> to vector<80x1xi32>
      %sub3A_160 = arith.subi %iota3A_138, %broadcast_in_dim3A_159 : vector<80x1xi32>
      %add3A_161 = arith.addi %broadcast_in_dim3A_154, %sub3A_160 : vector<80x1xi32>
      %reduce_sum3A_162 = arith.constant dense<0> : vector<1xi32>
      %reduce_sum3A_163 = vector.multi_reduction <add>, %max3A_132, %reduce_sum3A_162 [1] : vector<1x64xi32> to vector<1xi32>
      %broadcast_in_dim3A_164 = vector.shape_cast %reduce_sum3A_163 : vector<1xi32> to vector<1x1xi32>
      %lt3A_165 = vector.broadcast %broadcast_in_dim3A_164 : vector<1x1xi32> to vector<80x1xi32>
      %lt3A_166 = arith.cmpi slt, %iota3A_138, %lt3A_165 : vector<80x1xi32>
      %gt3A_167 = arith.constant 0 : i32
      %gt3A_168 = vector.broadcast %gt3A_167 : i32 to vector<1x64xi32>
      %gt3A_169 = arith.cmpi sgt, %convert_element_type3A_62, %gt3A_168 : vector<1x64xi32>
      %jit3A_170 = arith.constant 0 : i32
      %broadcast_in_dim3A_171 = vector.broadcast %jit3A_170 : i32 to vector<1x64xi32>
      %select_n3A_172 = arith.select %gt3A_169, %iota3A_51, %broadcast_in_dim3A_171 : vector<1x64xi1>, vector<1x64xi32>
      %reduce_max3A = arith.constant dense<-2147483648> : vector<1xi32>
      %reduce_max3A_173 = vector.multi_reduction <maxsi>, %select_n3A_172, %reduce_max3A [1] : vector<1x64xi32> to vector<1xi32>
      %broadcast_in_dim3A_174 = vector.shape_cast %reduce_max3A_173 : vector<1xi32> to vector<1x1xi32>
      %broadcast_in_dim3A_175 = vector.shape_cast %broadcast_in_dim3A_174 : vector<1x1xi32> to vector<1x1xi32>
      %broadcast_in_dim3A_176 = vector.broadcast %broadcast_in_dim3A_175 : vector<1x1xi32> to vector<80x1xi32>
      %select_n3A_177 = arith.select %lt3A_166, %broadcast_in_dim3A_145, %broadcast_in_dim3A_176 : vector<80x1xi1>, vector<80x1xi32>
      %jit3A_178 = arith.constant 15 : i32
      %broadcast_in_dim3A_179 = vector.broadcast %jit3A_178 : i32 to vector<80x1xi32>
      %select_n3A_180 = arith.select %lt3A_166, %add3A_161, %broadcast_in_dim3A_179 : vector<80x1xi1>, vector<80x1xi32>
      %mul3A_181 = vector.broadcast %sub3A : vector<1x64xi32> to vector<80x64xi32>
      %mul3A_182 = arith.muli %convert_element_type3A_149, %mul3A_181 : vector<80x64xi32>
      %reduce_sum3A_183 = arith.constant dense<0> : vector<80xi32>
      %reduce_sum3A_184 = vector.multi_reduction <add>, %mul3A_182, %reduce_sum3A_183 [1] : vector<80x64xi32> to vector<80xi32>
      %broadcast_in_dim3A_185 = vector.shape_cast %reduce_sum3A_184 : vector<80xi32> to vector<80x1xi32>
      %jit3A_186 = arith.constant 0 : i32
      %broadcast_in_dim3A_187 = vector.broadcast %jit3A_186 : i32 to vector<80x1xi32>
      %select_n3A_188 = arith.select %lt3A_166, %broadcast_in_dim3A_185, %broadcast_in_dim3A_187 : vector<80x1xi1>, vector<80x1xi32>
      %mul3A_189 = vector.broadcast %convert_element_type3A_61 : vector<1x64xi32> to vector<80x64xi32>
      %mul3A_190 = arith.muli %convert_element_type3A_149, %mul3A_189 : vector<80x64xi32>
      %reduce_sum3A_191 = arith.constant dense<0> : vector<80xi32>
      %reduce_sum3A_192 = vector.multi_reduction <add>, %mul3A_190, %reduce_sum3A_191 [1] : vector<80x64xi32> to vector<80xi32>
      %broadcast_in_dim3A_193 = vector.shape_cast %reduce_sum3A_192 : vector<80xi32> to vector<80x1xi32>
      %jit3A_194 = arith.constant 0 : i32
      %broadcast_in_dim3A_195 = vector.broadcast %jit3A_194 : i32 to vector<80x1xi32>
      %select_n3A_196 = arith.select %lt3A_166, %broadcast_in_dim3A_193, %broadcast_in_dim3A_195 : vector<80x1xi1>, vector<80x1xi32>
      %concatenate3A = tpu.concatenate %select_n3A_177, %select_n3A_180, %select_n3A_188, %select_n3A_196 in 1 : vector<80x1xi32>, vector<80x1xi32>, vector<80x1xi32>, vector<80x1xi32> -> vector<80x4xi32>
      %swap3A_197 = arith.constant 0 : index
      %swap3A_198 = arith.constant 0 : index
      %swap3A_199 = vector.load %arg5[%swap3A_197, %swap3A_198] : memref<80x4xi32, #tpu.memory_space<vmem>>, vector<80x4xi32>
      tpu.vector_store %arg5[%swap3A_197, %swap3A_198], %concatenate3A {strides = array<i32>} : memref<80x4xi32, #tpu.memory_space<vmem>>, vector<80x4xi32>,
      %get3A_200 = arith.constant 0 : index
      %get3A_201 = arith.constant 0 : index
      %get3A_202 = vector.load %arg7[%get3A_200, %get3A_201] : memref<8x256xi32, #tpu.memory_space<vmem>>, vector<1x256xi32>
      %get3A_203 = vector.shape_cast %get3A_202 : vector<1x256xi32> to vector<256xi32>
      %broadcast_in_dim3A_204 = vector.shape_cast %get3A_203 : vector<256xi32> to vector<256x1xi32>
      %eq3A_205 = vector.broadcast %broadcast_in_dim3A_204 : vector<256x1xi32> to vector<256x64xi32>
      %eq3A_206 = vector.broadcast %iota3A_51 : vector<1x64xi32> to vector<256x64xi32>
      %eq3A_207 = arith.cmpi eq, %eq3A_205, %eq3A_206 : vector<256x64xi32>
      %jit3A_208 = arith.constant 0 : i32
      %broadcast_in_dim3A_209 = vector.shape_cast %sub3A : vector<1x64xi32> to vector<1x64xi32>
      %broadcast_in_dim3A_210 = vector.broadcast %broadcast_in_dim3A_209 : vector<1x64xi32> to vector<256x64xi32>
      %broadcast_in_dim3A_211 = vector.broadcast %jit3A_208 : i32 to vector<256x64xi32>
      %select_n3A_212 = arith.select %eq3A_207, %broadcast_in_dim3A_210, %broadcast_in_dim3A_211 : vector<256x64xi1>, vector<256x64xi32>
      %reduce_sum3A_213 = arith.constant dense<0> : vector<256xi32>
      %reduce_sum3A_214 = vector.multi_reduction <add>, %select_n3A_212, %reduce_sum3A_213 [1] : vector<256x64xi32> to vector<256xi32>
      %get3A_215 = arith.constant 0 : index
      %get3A_216 = arith.constant 0 : index
      %get3A_217 = vector.load %arg8[%get3A_215, %get3A_216] : memref<8x256xi32, #tpu.memory_space<vmem>>, vector<1x256xi32>
      %get3A_218 = vector.shape_cast %get3A_217 : vector<1x256xi32> to vector<256xi32>
      %add3A_219 = arith.addi %reduce_sum3A_214, %get3A_218 : vector<256xi32>
      %swap3A_220 = arith.constant 0 : index
      %swap3A_221 = vector.load %arg4[%swap3A_220] : memref<2048xi32, #tpu.memory_space<vmem>>, vector<256xi32>
      tpu.vector_store %arg4[%swap3A_220], %add3A_219 {strides = array<i32>} : memref<2048xi32, #tpu.memory_space<vmem>>, vector<256xi32>,
      %get3A_222 = arith.constant 1 : index
      %get3A_223 = arith.constant 0 : index
      %get3A_224 = vector.load %arg7[%get3A_222, %get3A_223] : memref<8x256xi32, #tpu.memory_space<vmem>>, vector<1x256xi32>
      %get3A_225 = vector.shape_cast %get3A_224 : vector<1x256xi32> to vector<256xi32>
      %broadcast_in_dim3A_226 = vector.shape_cast %get3A_225 : vector<256xi32> to vector<256x1xi32>
      %eq3A_227 = vector.broadcast %broadcast_in_dim3A_226 : vector<256x1xi32> to vector<256x64xi32>
      %eq3A_228 = vector.broadcast %iota3A_51 : vector<1x64xi32> to vector<256x64xi32>
      %eq3A_229 = arith.cmpi eq, %eq3A_227, %eq3A_228 : vector<256x64xi32>
      %jit3A_230 = arith.constant 0 : i32
      %broadcast_in_dim3A_231 = vector.shape_cast %sub3A : vector<1x64xi32> to vector<1x64xi32>
      %broadcast_in_dim3A_232 = vector.broadcast %broadcast_in_dim3A_231 : vector<1x64xi32> to vector<256x64xi32>
      %broadcast_in_dim3A_233 = vector.broadcast %jit3A_230 : i32 to vector<256x64xi32>
      %select_n3A_234 = arith.select %eq3A_229, %broadcast_in_dim3A_232, %broadcast_in_dim3A_233 : vector<256x64xi1>, vector<256x64xi32>
      %reduce_sum3A_235 = arith.constant dense<0> : vector<256xi32>
      %reduce_sum3A_236 = vector.multi_reduction <add>, %select_n3A_234, %reduce_sum3A_235 [1] : vector<256x64xi32> to vector<256xi32>
      %get3A_237 = arith.constant 1 : index
      %get3A_238 = arith.constant 0 : index
      %get3A_239 = vector.load %arg8[%get3A_237, %get3A_238] : memref<8x256xi32, #tpu.memory_space<vmem>>, vector<1x256xi32>
      %get3A_240 = vector.shape_cast %get3A_239 : vector<1x256xi32> to vector<256xi32>
      %add3A_241 = arith.addi %reduce_sum3A_236, %get3A_240 : vector<256xi32>
      %swap3A_242 = arith.constant 256 : index
      %swap3A_243 = vector.load %arg4[%swap3A_242] : memref<2048xi32, #tpu.memory_space<vmem>>, vector<256xi32>
      tpu.vector_store %arg4[%swap3A_242], %add3A_241 {strides = array<i32>} : memref<2048xi32, #tpu.memory_space<vmem>>, vector<256xi32>,
      %get3A_244 = arith.constant 2 : index
      %get3A_245 = arith.constant 0 : index
      %get3A_246 = vector.load %arg7[%get3A_244, %get3A_245] : memref<8x256xi32, #tpu.memory_space<vmem>>, vector<1x256xi32>
      %get3A_247 = vector.shape_cast %get3A_246 : vector<1x256xi32> to vector<256xi32>
      %broadcast_in_dim3A_248 = vector.shape_cast %get3A_247 : vector<256xi32> to vector<256x1xi32>
      %eq3A_249 = vector.broadcast %broadcast_in_dim3A_248 : vector<256x1xi32> to vector<256x64xi32>
      %eq3A_250 = vector.broadcast %iota3A_51 : vector<1x64xi32> to vector<256x64xi32>
      %eq3A_251 = arith.cmpi eq, %eq3A_249, %eq3A_250 : vector<256x64xi32>
      %jit3A_252 = arith.constant 0 : i32
      %broadcast_in_dim3A_253 = vector.shape_cast %sub3A : vector<1x64xi32> to vector<1x64xi32>
      %broadcast_in_dim3A_254 = vector.broadcast %broadcast_in_dim3A_253 : vector<1x64xi32> to vector<256x64xi32>
      %broadcast_in_dim3A_255 = vector.broadcast %jit3A_252 : i32 to vector<256x64xi32>
      %select_n3A_256 = arith.select %eq3A_251, %broadcast_in_dim3A_254, %broadcast_in_dim3A_255 : vector<256x64xi1>, vector<256x64xi32>
      %reduce_sum3A_257 = arith.constant dense<0> : vector<256xi32>
      %reduce_sum3A_258 = vector.multi_reduction <add>, %select_n3A_256, %reduce_sum3A_257 [1] : vector<256x64xi32> to vector<256xi32>
      %get3A_259 = arith.constant 2 : index
      %get3A_260 = arith.constant 0 : index
      %get3A_261 = vector.load %arg8[%get3A_259, %get3A_260] : memref<8x256xi32, #tpu.memory_space<vmem>>, vector<1x256xi32>
      %get3A_262 = vector.shape_cast %get3A_261 : vector<1x256xi32> to vector<256xi32>
      %add3A_263 = arith.addi %reduce_sum3A_258, %get3A_262 : vector<256xi32>
      %swap3A_264 = arith.constant 512 : index
      %swap3A_265 = vector.load %arg4[%swap3A_264] : memref<2048xi32, #tpu.memory_space<vmem>>, vector<256xi32>
      tpu.vector_store %arg4[%swap3A_264], %add3A_263 {strides = array<i32>} : memref<2048xi32, #tpu.memory_space<vmem>>, vector<256xi32>,
      %get3A_266 = arith.constant 3 : index
      %get3A_267 = arith.constant 0 : index
      %get3A_268 = vector.load %arg7[%get3A_266, %get3A_267] : memref<8x256xi32, #tpu.memory_space<vmem>>, vector<1x256xi32>
      %get3A_269 = vector.shape_cast %get3A_268 : vector<1x256xi32> to vector<256xi32>
      %broadcast_in_dim3A_270 = vector.shape_cast %get3A_269 : vector<256xi32> to vector<256x1xi32>
      %eq3A_271 = vector.broadcast %broadcast_in_dim3A_270 : vector<256x1xi32> to vector<256x64xi32>
      %eq3A_272 = vector.broadcast %iota3A_51 : vector<1x64xi32> to vector<256x64xi32>
      %eq3A_273 = arith.cmpi eq, %eq3A_271, %eq3A_272 : vector<256x64xi32>
      %jit3A_274 = arith.constant 0 : i32
      %broadcast_in_dim3A_275 = vector.shape_cast %sub3A : vector<1x64xi32> to vector<1x64xi32>
      %broadcast_in_dim3A_276 = vector.broadcast %broadcast_in_dim3A_275 : vector<1x64xi32> to vector<256x64xi32>
      %broadcast_in_dim3A_277 = vector.broadcast %jit3A_274 : i32 to vector<256x64xi32>
      %select_n3A_278 = arith.select %eq3A_273, %broadcast_in_dim3A_276, %broadcast_in_dim3A_277 : vector<256x64xi1>, vector<256x64xi32>
      %reduce_sum3A_279 = arith.constant dense<0> : vector<256xi32>
      %reduce_sum3A_280 = vector.multi_reduction <add>, %select_n3A_278, %reduce_sum3A_279 [1] : vector<256x64xi32> to vector<256xi32>
      %get3A_281 = arith.constant 3 : index
      %get3A_282 = arith.constant 0 : index
      %get3A_283 = vector.load %arg8[%get3A_281, %get3A_282] : memref<8x256xi32, #tpu.memory_space<vmem>>, vector<1x256xi32>
      %get3A_284 = vector.shape_cast %get3A_283 : vector<1x256xi32> to vector<256xi32>
      %add3A_285 = arith.addi %reduce_sum3A_280, %get3A_284 : vector<256xi32>
      %swap3A_286 = arith.constant 768 : index
      %swap3A_287 = vector.load %arg4[%swap3A_286] : memref<2048xi32, #tpu.memory_space<vmem>>, vector<256xi32>
      tpu.vector_store %arg4[%swap3A_286], %add3A_285 {strides = array<i32>} : memref<2048xi32, #tpu.memory_space<vmem>>, vector<256xi32>,
      %get3A_288 = arith.constant 4 : index
      %get3A_289 = arith.constant 0 : index
      %get3A_290 = vector.load %arg7[%get3A_288, %get3A_289] : memref<8x256xi32, #tpu.memory_space<vmem>>, vector<1x256xi32>
      %get3A_291 = vector.shape_cast %get3A_290 : vector<1x256xi32> to vector<256xi32>
      %broadcast_in_dim3A_292 = vector.shape_cast %get3A_291 : vector<256xi32> to vector<256x1xi32>
      %eq3A_293 = vector.broadcast %broadcast_in_dim3A_292 : vector<256x1xi32> to vector<256x64xi32>
      %eq3A_294 = vector.broadcast %iota3A_51 : vector<1x64xi32> to vector<256x64xi32>
      %eq3A_295 = arith.cmpi eq, %eq3A_293, %eq3A_294 : vector<256x64xi32>
      %jit3A_296 = arith.constant 0 : i32
      %broadcast_in_dim3A_297 = vector.shape_cast %sub3A : vector<1x64xi32> to vector<1x64xi32>
      %broadcast_in_dim3A_298 = vector.broadcast %broadcast_in_dim3A_297 : vector<1x64xi32> to vector<256x64xi32>
      %broadcast_in_dim3A_299 = vector.broadcast %jit3A_296 : i32 to vector<256x64xi32>
      %select_n3A_300 = arith.select %eq3A_295, %broadcast_in_dim3A_298, %broadcast_in_dim3A_299 : vector<256x64xi1>, vector<256x64xi32>
      %reduce_sum3A_301 = arith.constant dense<0> : vector<256xi32>
      %reduce_sum3A_302 = vector.multi_reduction <add>, %select_n3A_300, %reduce_sum3A_301 [1] : vector<256x64xi32> to vector<256xi32>
      %get3A_303 = arith.constant 4 : index
      %get3A_304 = arith.constant 0 : index
      %get3A_305 = vector.load %arg8[%get3A_303, %get3A_304] : memref<8x256xi32, #tpu.memory_space<vmem>>, vector<1x256xi32>
      %get3A_306 = vector.shape_cast %get3A_305 : vector<1x256xi32> to vector<256xi32>
      %add3A_307 = arith.addi %reduce_sum3A_302, %get3A_306 : vector<256xi32>
      %swap3A_308 = arith.constant 1024 : index
      %swap3A_309 = vector.load %arg4[%swap3A_308] : memref<2048xi32, #tpu.memory_space<vmem>>, vector<256xi32>
      tpu.vector_store %arg4[%swap3A_308], %add3A_307 {strides = array<i32>} : memref<2048xi32, #tpu.memory_space<vmem>>, vector<256xi32>,
      %get3A_310 = arith.constant 5 : index
      %get3A_311 = arith.constant 0 : index
      %get3A_312 = vector.load %arg7[%get3A_310, %get3A_311] : memref<8x256xi32, #tpu.memory_space<vmem>>, vector<1x256xi32>
      %get3A_313 = vector.shape_cast %get3A_312 : vector<1x256xi32> to vector<256xi32>
      %broadcast_in_dim3A_314 = vector.shape_cast %get3A_313 : vector<256xi32> to vector<256x1xi32>
      %eq3A_315 = vector.broadcast %broadcast_in_dim3A_314 : vector<256x1xi32> to vector<256x64xi32>
      %eq3A_316 = vector.broadcast %iota3A_51 : vector<1x64xi32> to vector<256x64xi32>
      %eq3A_317 = arith.cmpi eq, %eq3A_315, %eq3A_316 : vector<256x64xi32>
      %jit3A_318 = arith.constant 0 : i32
      %broadcast_in_dim3A_319 = vector.shape_cast %sub3A : vector<1x64xi32> to vector<1x64xi32>
      %broadcast_in_dim3A_320 = vector.broadcast %broadcast_in_dim3A_319 : vector<1x64xi32> to vector<256x64xi32>
      %broadcast_in_dim3A_321 = vector.broadcast %jit3A_318 : i32 to vector<256x64xi32>
      %select_n3A_322 = arith.select %eq3A_317, %broadcast_in_dim3A_320, %broadcast_in_dim3A_321 : vector<256x64xi1>, vector<256x64xi32>
      %reduce_sum3A_323 = arith.constant dense<0> : vector<256xi32>
      %reduce_sum3A_324 = vector.multi_reduction <add>, %select_n3A_322, %reduce_sum3A_323 [1] : vector<256x64xi32> to vector<256xi32>
      %get3A_325 = arith.constant 5 : index
      %get3A_326 = arith.constant 0 : index
      %get3A_327 = vector.load %arg8[%get3A_325, %get3A_326] : memref<8x256xi32, #tpu.memory_space<vmem>>, vector<1x256xi32>
      %get3A_328 = vector.shape_cast %get3A_327 : vector<1x256xi32> to vector<256xi32>
      %add3A_329 = arith.addi %reduce_sum3A_324, %get3A_328 : vector<256xi32>
      %swap3A_330 = arith.constant 1280 : index
      %swap3A_331 = vector.load %arg4[%swap3A_330] : memref<2048xi32, #tpu.memory_space<vmem>>, vector<256xi32>
      tpu.vector_store %arg4[%swap3A_330], %add3A_329 {strides = array<i32>} : memref<2048xi32, #tpu.memory_space<vmem>>, vector<256xi32>,
      %get3A_332 = arith.constant 6 : index
      %get3A_333 = arith.constant 0 : index
      %get3A_334 = vector.load %arg7[%get3A_332, %get3A_333] : memref<8x256xi32, #tpu.memory_space<vmem>>, vector<1x256xi32>
      %get3A_335 = vector.shape_cast %get3A_334 : vector<1x256xi32> to vector<256xi32>
      %broadcast_in_dim3A_336 = vector.shape_cast %get3A_335 : vector<256xi32> to vector<256x1xi32>
      %eq3A_337 = vector.broadcast %broadcast_in_dim3A_336 : vector<256x1xi32> to vector<256x64xi32>
      %eq3A_338 = vector.broadcast %iota3A_51 : vector<1x64xi32> to vector<256x64xi32>
      %eq3A_339 = arith.cmpi eq, %eq3A_337, %eq3A_338 : vector<256x64xi32>
      %jit3A_340 = arith.constant 0 : i32
      %broadcast_in_dim3A_341 = vector.shape_cast %sub3A : vector<1x64xi32> to vector<1x64xi32>
      %broadcast_in_dim3A_342 = vector.broadcast %broadcast_in_dim3A_341 : vector<1x64xi32> to vector<256x64xi32>
      %broadcast_in_dim3A_343 = vector.broadcast %jit3A_340 : i32 to vector<256x64xi32>
      %select_n3A_344 = arith.select %eq3A_339, %broadcast_in_dim3A_342, %broadcast_in_dim3A_343 : vector<256x64xi1>, vector<256x64xi32>
      %reduce_sum3A_345 = arith.constant dense<0> : vector<256xi32>
      %reduce_sum3A_346 = vector.multi_reduction <add>, %select_n3A_344, %reduce_sum3A_345 [1] : vector<256x64xi32> to vector<256xi32>
      %get3A_347 = arith.constant 6 : index
      %get3A_348 = arith.constant 0 : index
      %get3A_349 = vector.load %arg8[%get3A_347, %get3A_348] : memref<8x256xi32, #tpu.memory_space<vmem>>, vector<1x256xi32>
      %get3A_350 = vector.shape_cast %get3A_349 : vector<1x256xi32> to vector<256xi32>
      %add3A_351 = arith.addi %reduce_sum3A_346, %get3A_350 : vector<256xi32>
      %swap3A_352 = arith.constant 1536 : index
      %swap3A_353 = vector.load %arg4[%swap3A_352] : memref<2048xi32, #tpu.memory_space<vmem>>, vector<256xi32>
      tpu.vector_store %arg4[%swap3A_352], %add3A_351 {strides = array<i32>} : memref<2048xi32, #tpu.memory_space<vmem>>, vector<256xi32>,
      %get3A_354 = arith.constant 7 : index
      %get3A_355 = arith.constant 0 : index
      %get3A_356 = vector.load %arg7[%get3A_354, %get3A_355] : memref<8x256xi32, #tpu.memory_space<vmem>>, vector<1x256xi32>
      %get3A_357 = vector.shape_cast %get3A_356 : vector<1x256xi32> to vector<256xi32>
      %broadcast_in_dim3A_358 = vector.shape_cast %get3A_357 : vector<256xi32> to vector<256x1xi32>
      %eq3A_359 = vector.broadcast %broadcast_in_dim3A_358 : vector<256x1xi32> to vector<256x64xi32>
      %eq3A_360 = vector.broadcast %iota3A_51 : vector<1x64xi32> to vector<256x64xi32>
      %eq3A_361 = arith.cmpi eq, %eq3A_359, %eq3A_360 : vector<256x64xi32>
      %jit3A_362 = arith.constant 0 : i32
      %broadcast_in_dim3A_363 = vector.shape_cast %sub3A : vector<1x64xi32> to vector<1x64xi32>
      %broadcast_in_dim3A_364 = vector.broadcast %broadcast_in_dim3A_363 : vector<1x64xi32> to vector<256x64xi32>
      %broadcast_in_dim3A_365 = vector.broadcast %jit3A_362 : i32 to vector<256x64xi32>
      %select_n3A_366 = arith.select %eq3A_361, %broadcast_in_dim3A_364, %broadcast_in_dim3A_365 : vector<256x64xi1>, vector<256x64xi32>
      %reduce_sum3A_367 = arith.constant dense<0> : vector<256xi32>
      %reduce_sum3A_368 = vector.multi_reduction <add>, %select_n3A_366, %reduce_sum3A_367 [1] : vector<256x64xi32> to vector<256xi32>
      %get3A_369 = arith.constant 7 : index
      %get3A_370 = arith.constant 0 : index
      %get3A_371 = vector.load %arg8[%get3A_369, %get3A_370] : memref<8x256xi32, #tpu.memory_space<vmem>>, vector<1x256xi32>
      %get3A_372 = vector.shape_cast %get3A_371 : vector<1x256xi32> to vector<256xi32>
      %add3A_373 = arith.addi %reduce_sum3A_368, %get3A_372 : vector<256xi32>
      %swap3A_374 = arith.constant 1792 : index
      %swap3A_375 = vector.load %arg4[%swap3A_374] : memref<2048xi32, #tpu.memory_space<vmem>>, vector<256xi32>
      tpu.vector_store %arg4[%swap3A_374], %add3A_373 {strides = array<i32>} : memref<2048xi32, #tpu.memory_space<vmem>>, vector<256xi32>,
    } else {
    }
    return
  }
  func.func @transform_0(%arg0: i32) -> (i32, i32) {
    %c0_i32 = arith.constant 0 : i32
    %c0_i32_0 = arith.constant 0 : i32
    return %arg0, %c0_i32 : i32, i32
  }
  func.func @transform_1(%arg0: i32) -> (i32, i32) {
    %c0_i32 = arith.constant 0 : i32
    %c0_i32_0 = arith.constant 0 : i32
    %c0_i32_1 = arith.constant 0 : i32
    return %c0_i32, %c0_i32_0 : i32, i32
  }
  func.func @transform_2(%arg0: i32) -> (i32, i32) {
    %c0_i32 = arith.constant 0 : i32
    %c0_i32_0 = arith.constant 0 : i32
    %c0_i32_1 = arith.constant 0 : i32
    return %c0_i32, %c0_i32_0 : i32, i32
  }
  func.func @transform_3(%arg0: i32) -> i32 {
    %c0_i32 = arith.constant 0 : i32
    %c0_i32_0 = arith.constant 0 : i32
    return %c0_i32 : i32
  }
  func.func @transform_4(%arg0: i32) -> (i32, i32) {
    %c0_i32 = arith.constant 0 : i32
    %c0_i32_0 = arith.constant 0 : i32
    %c0_i32_1 = arith.constant 0 : i32
    return %c0_i32, %c0_i32_0 : i32, i32
  }
}

module attributes {stable_mosaic.version = 14 : i64} {
  func.func @_gmm_body(%arg0: i32, %arg1: memref<80x4xi32, #tpu.memory_space<smem>>, %arg2: memref<128x1024xf32, #tpu.memory_space<vmem>>, %arg3: memref<1x1024x1024xf32, #tpu.memory_space<vmem>>, %arg4: memref<1x1024x1024xf32, #tpu.memory_space<vmem>>, %arg5: memref<1x1024x1024xf32, #tpu.memory_space<vmem>>, %arg6: memref<128x1024xf32, #tpu.memory_space<vmem>>) attributes {dimension_semantics = [#tpu.dimension_semantics<arbitrary>], iteration_bounds = array<i64: 80>, scalar_prefetch = 1 : i64, scratch_operands = 0 : i64, tpu.core_type = #tpu.core_type<tc>, window_params = [{transform_indices = @transform_0, window_bounds = array<i64: 128, 1024>}, {transform_indices = @transform_1, window_bounds = array<i64: 1, 1024, 1024>}, {transform_indices = @transform_2, window_bounds = array<i64: 1, 1024, 1024>}, {transform_indices = @transform_3, window_bounds = array<i64: 1, 1024, 1024>}, {transform_indices = @transform_4, window_bounds = array<i64: 128, 1024>}]} {
    %get3A = arith.index_cast %arg0 : i32 to index
    %get3A_0 = arith.constant 2 : index
    %get3A_1 = memref.load %arg1[%get3A, %get3A_0] : memref<80x4xi32, #tpu.memory_space<smem>>
    %get3A_2 = arith.index_cast %arg0 : i32 to index
    %get3A_3 = arith.constant 3 : index
    %get3A_4 = memref.load %arg1[%get3A_2, %get3A_3] : memref<80x4xi32, #tpu.memory_space<smem>>
    %lt3A = arith.cmpi slt, %get3A_1, %get3A_4 : i32
    %convert_element_type3A = arith.extui %lt3A : i1 to i32
    %cond3A = arith.constant 0 : i32
    %cond3A_5 = arith.cmpi ne, %convert_element_type3A, %cond3A : i32
    scf.if %cond3A_5 {
      %get3A_6 = arith.index_cast %arg0 : i32 to index
      %get3A_7 = arith.constant 1 : index
      %get3A_8 = memref.load %arg1[%get3A_6, %get3A_7] : memref<80x4xi32, #tpu.memory_space<smem>>
      %get3A_9 = arith.constant 0 : index
      %get3A_10 = arith.constant 0 : index
      %get3A_11 = vector.load %arg2[%get3A_9, %get3A_10] : memref<128x1024xf32, #tpu.memory_space<vmem>>, vector<128x1024xf32>
      %get3A_12 = arith.constant 0 : index
      %get3A_13 = arith.constant 0 : index
      %get3A_14 = arith.constant 0 : index
      %get3A_15 = vector.load %arg3[%get3A_12, %get3A_13, %get3A_14] : memref<1x1024x1024xf32, #tpu.memory_space<vmem>>, vector<1x1024x1024xf32>
      %get3A_16 = vector.shape_cast %get3A_15 : vector<1x1024x1024xf32> to vector<1024x1024xf32>
      %dot_general3A = arith.constant dense<0.000000e+00> : vector<128x1024xf32>
      %dot_general3A_17 = tpu.matmul %get3A_11, %get3A_16, %dot_general3A {dimension_numbers = #tpu.dot_dimension_numbers<[1], [0], [0], [1], [0, 0, 1, 1], [], []>, transpose_lhs_hint = false} : vector<128x1024xf32>, vector<1024x1024xf32>, vector<128x1024xf32> -> vector<128x1024xf32>
      %get3A_18 = arith.constant 0 : index
      %get3A_19 = arith.constant 0 : index
      %get3A_20 = arith.constant 0 : index
      %get3A_21 = vector.load %arg4[%get3A_18, %get3A_19, %get3A_20] : memref<1x1024x1024xf32, #tpu.memory_space<vmem>>, vector<1x1024x1024xf32>
      %get3A_22 = vector.shape_cast %get3A_21 : vector<1x1024x1024xf32> to vector<1024x1024xf32>
      %dot_general3A_23 = arith.constant dense<0.000000e+00> : vector<128x1024xf32>
      %dot_general3A_24 = tpu.matmul %get3A_11, %get3A_22, %dot_general3A_23 {dimension_numbers = #tpu.dot_dimension_numbers<[1], [0], [0], [1], [0, 0, 1, 1], [], []>, transpose_lhs_hint = false} : vector<128x1024xf32>, vector<1024x1024xf32>, vector<128x1024xf32> -> vector<128x1024xf32>
      %logistic3A = arith.negf %dot_general3A_17 : vector<128x1024xf32>
      %logistic3A_25 = math.exp %logistic3A : vector<128x1024xf32>
      %logistic3A_26 = arith.constant 1.000000e+00 : f32
      %logistic3A_27 = vector.broadcast %logistic3A_26 : f32 to vector<128x1024xf32>
      %logistic3A_28 = arith.addf %logistic3A_27, %logistic3A_25 : vector<128x1024xf32>
      %logistic3A_29 = arith.divf %logistic3A_27, %logistic3A_28 : vector<128x1024xf32>
      %mul3A = arith.mulf %dot_general3A_17, %logistic3A_29 : vector<128x1024xf32>
      %mul3A_30 = arith.mulf %mul3A, %dot_general3A_24 : vector<128x1024xf32>
      %get3A_31 = arith.constant 0 : index
      %get3A_32 = arith.constant 0 : index
      %get3A_33 = arith.constant 0 : index
      %get3A_34 = vector.load %arg5[%get3A_31, %get3A_32, %get3A_33] : memref<1x1024x1024xf32, #tpu.memory_space<vmem>>, vector<1x1024x1024xf32>
      %get3A_35 = vector.shape_cast %get3A_34 : vector<1x1024x1024xf32> to vector<1024x1024xf32>
      %dot_general3A_36 = arith.constant dense<0.000000e+00> : vector<128x1024xf32>
      %dot_general3A_37 = tpu.matmul %mul3A_30, %get3A_35, %dot_general3A_36 {dimension_numbers = #tpu.dot_dimension_numbers<[1], [0], [0], [1], [0, 0, 1, 1], [], []>, transpose_lhs_hint = false} : vector<128x1024xf32>, vector<1024x1024xf32>, vector<128x1024xf32> -> vector<128x1024xf32>
      %mul3A_38 = arith.constant 128 : i32
      %mul3A_39 = arith.muli %get3A_8, %mul3A_38 : i32
      %iota3A = tpu.iota {dimensions = array<i32: 0>} : vector<128x1xi32>
      %add3A = vector.broadcast %mul3A_39 : i32 to vector<128x1xi32>
      %add3A_40 = arith.addi %add3A, %iota3A : vector<128x1xi32>
      %ge3A = vector.broadcast %get3A_1 : i32 to vector<128x1xi32>
      %ge3A_41 = arith.cmpi sge, %add3A_40, %ge3A : vector<128x1xi32>
      %lt3A_42 = vector.broadcast %get3A_4 : i32 to vector<128x1xi32>
      %lt3A_43 = arith.cmpi slt, %add3A_40, %lt3A_42 : vector<128x1xi32>
      %and3A = arith.andi %ge3A_41, %lt3A_43 : vector<128x1xi1>
      %get3A_44 = arith.constant 0 : index
      %get3A_45 = arith.constant 0 : index
      %get3A_46 = vector.load %arg6[%get3A_44, %get3A_45] : memref<128x1024xf32, #tpu.memory_space<vmem>>, vector<128x1024xf32>
      %broadcast_in_dim3A = vector.shape_cast %and3A : vector<128x1xi1> to vector<128x1xi1>
      %broadcast_in_dim3A_47 = vector.broadcast %broadcast_in_dim3A : vector<128x1xi1> to vector<128x1024xi1>
      %select_n3A = arith.select %broadcast_in_dim3A_47, %dot_general3A_37, %get3A_46 : vector<128x1024xi1>, vector<128x1024xf32>
      %swap3A = arith.constant 0 : index
      %swap3A_48 = arith.constant 0 : index
      %swap3A_49 = vector.load %arg6[%swap3A, %swap3A_48] : memref<128x1024xf32, #tpu.memory_space<vmem>>, vector<128x1024xf32>
      tpu.vector_store %arg6[%swap3A, %swap3A_48], %select_n3A {strides = array<i32>} : memref<128x1024xf32, #tpu.memory_space<vmem>>, vector<128x1024xf32>,
    } else {
    }
    return
  }
  func.func @transform_0(%arg0: i32, %arg1: memref<80x4xi32, #tpu.memory_space<smem>>) -> (i32, i32) {
    %get3A = arith.index_cast %arg0 : i32 to index
    %get3A_0 = arith.constant 1 : index
    %get3A_1 = memref.load %arg1[%get3A, %get3A_0] : memref<80x4xi32, #tpu.memory_space<smem>>
    %c0_i32 = arith.constant 0 : i32
    %c0_i32_2 = arith.constant 0 : i32
    return %get3A_1, %c0_i32 : i32, i32
  }
  func.func @transform_1(%arg0: i32, %arg1: memref<80x4xi32, #tpu.memory_space<smem>>) -> (i32, i32, i32) {
    %get3A = arith.index_cast %arg0 : i32 to index
    %get3A_0 = arith.constant 0 : index
    %get3A_1 = memref.load %arg1[%get3A, %get3A_0] : memref<80x4xi32, #tpu.memory_space<smem>>
    %c0_i32 = arith.constant 0 : i32
    %c0_i32_2 = arith.constant 0 : i32
    %c0_i32_3 = arith.constant 0 : i32
    return %get3A_1, %c0_i32, %c0_i32_2 : i32, i32, i32
  }
  func.func @transform_2(%arg0: i32, %arg1: memref<80x4xi32, #tpu.memory_space<smem>>) -> (i32, i32, i32) {
    %get3A = arith.index_cast %arg0 : i32 to index
    %get3A_0 = arith.constant 0 : index
    %get3A_1 = memref.load %arg1[%get3A, %get3A_0] : memref<80x4xi32, #tpu.memory_space<smem>>
    %c0_i32 = arith.constant 0 : i32
    %c0_i32_2 = arith.constant 0 : i32
    %c0_i32_3 = arith.constant 0 : i32
    return %get3A_1, %c0_i32, %c0_i32_2 : i32, i32, i32
  }
  func.func @transform_3(%arg0: i32, %arg1: memref<80x4xi32, #tpu.memory_space<smem>>) -> (i32, i32, i32) {
    %get3A = arith.index_cast %arg0 : i32 to index
    %get3A_0 = arith.constant 0 : index
    %get3A_1 = memref.load %arg1[%get3A, %get3A_0] : memref<80x4xi32, #tpu.memory_space<smem>>
    %c0_i32 = arith.constant 0 : i32
    %c0_i32_2 = arith.constant 0 : i32
    %c0_i32_3 = arith.constant 0 : i32
    return %get3A_1, %c0_i32, %c0_i32_2 : i32, i32, i32
  }
  func.func @transform_4(%arg0: i32, %arg1: memref<80x4xi32, #tpu.memory_space<smem>>) -> (i32, i32) {
    %get3A = arith.index_cast %arg0 : i32 to index
    %get3A_0 = arith.constant 1 : index
    %get3A_1 = memref.load %arg1[%get3A, %get3A_0] : memref<80x4xi32, #tpu.memory_space<smem>>
    %c0_i32 = arith.constant 0 : i32
    %c0_i32_2 = arith.constant 0 : i32
    return %get3A_1, %c0_i32 : i32, i32
  }
}

</mosaic_0001>

<sc_bundles>
// kernel: kernel.6.cloned.1.call-start
scs
__scs_entry_jumppad:
0x0: {  	(pc) =	sbr.rel $0x88, $3  }
0x1: {  	(tag) =	ssettag $0x0;
	lr =	simm.s32 $0x1  }
0x2: {  	[smem:$0x3F9B] =	sst lr;
	_ =	strace $0xD0000000  }
0x3: {  	_ = 	snop  }
0x4: {  	_ = 	snop  }
0x5: {  	_ = 	snop  }
0x6: {  	_ = 	snop  }
0x7: {  	_ = 	snop  }
__scs_overlays_trampoline_lowered:
0x8: {  	[smem:$0x3FAA] =	sst s0  }
0x9: {  	[smem:$0x3FAB] =	sst s1  }
0xa: {  	[smem:$0x3FAC] =	sst s2  }
0xb: {  	[smem:$0x3FAD] =	sst s3  }
0xc: {  	[smem:$0x3FAE] =	sst s4  }
0xd: {  	[smem:$0x3FAF] =	sst s5  }
0xe: {  	[smem:$0x3FB0] =	sst s6  }
0xf: {  	[smem:$0x3FB1] =	sst s7  }
0x10: {  	[smem:$0x3FB2] =	sst s8  }
0x11: {  	[smem:$0x3FB3] =	sst s9;
	s0 =	simm.s32 @!p0 $0x0  }
0x12: {  	s1 =	sld [smem:$0x3F99];
	s0 =	simm.s32 @p0 $0x1  }
0x13: {  	[smem:$0x3FB4] =	sst s0;
	s0 =	simm.s32 @!p1 $0x0  }
0x14: {  	s2 =	sld [smem:$0x3F98];
	s0 =	simm.s32 @p1 $0x1  }
0x15: {  	[smem:$0x3FB5] =	sst s0;
	s0 =	simm.s32 @!p2 $0x0  }
0x16: {  	s3 =	sld [smem:$0x3FDB];
	s0 =	simm.s32 @p2 $0x1  }
0x17: {  	s4 =	simm.s32 $0x1BF5;
	[smem:$0x3FB7] =	sst s0  }
0x18: {  	s0 =	sld [smem:$0x3F9A];
	_ =	swait.ge [sflag:s4], $0x0  }
0x19: {  	s7 =	sld [smem:$0x3F9B]  }
0x1a: {  	s8 =	sadd.s32 $0xFFFFE003, lr  }
0x1b: {  	s9 =	sadd.s32 $0xFFFFFEF7, lr;
	s5 =	simm.s32 $0xFFFFFFFF;
	p2 =	slt.u32 s8, $0xFFFFF086  }
0x1c: {  	p1 =	slt.u32 s9, $0xF7A;
	s5 =	simm.s32 @!p2 $0x0  }
0x1d: {  	s5 =	simm.s32 @p1 $0x1;
	p0 =	seq.s32 s7, s2  }
0x1e: {  	s7 =	smul.u32 @!p0 $0xF7A, s2;
	p2 =	seq.s32 @!p0 s5, $0x0  }
0x1f: {  	s9 =	smul.u32 $0xF7A, s1;
	s8 =	simm.s32 @!p0 $0x1BF5;
	p2 =	por !p2, p0  }
0x20: {  	[sflag:s8] =	ssyncset.s32 @!p0 $0xFFFFF086;
	s6 =	sadd.s32 @!p0 s3, s7;
	s7 =	simm.s32 @!p0 $0x108  }
0x21: {  	s3 =	sadd.s32 s3, s9;
	s6 =	sadd.s32 @!p0 $0x88, s6;
	s7 =	simm.s32 @p2 $0x1082  }
0x22: {  	[simem:s7], [sflag:s8] =	dma.local @!p0 [hbm:s6], $0xF7A  }
0x23: {  	s9 =	sor.u32 $0xD0000000, s2;
	s6 =	simm.s32 $0x108;
	_ =	swait.ge @!p0 [sflag:s8], $0x0  }
0x24: {  	s3 =	sadd.s32 $0x88, s3;
	s6 =	simm.s32 @!p1 $0x1082;
	[sflag:s4] =	ssyncset.s32 $0xFFFFF086  }
0x25: {  	[simem:s6], [sflag:s4] =	dma.local [hbm:s3], $0xF7A  }
0x26: {  	[smem:$0x3F9B] =	sst s1;
	(tag) =	ssettag s2;
	_ =	strace s9  }
0x27: {  	s1 =	sld [smem:$0x3FAB]  }
0x28: {  	s2 =	sld [smem:$0x3FAC]  }
0x29: {  	s4 =	sld [smem:$0x3FAE]  }
0x2a: {  	p0 =	seq.s32 s5, $0x0;
	s5 =	sld [smem:$0x3FAF]  }
0x2b: {  	s6 =	sld [smem:$0x3FB0]  }
0x2c: {  	s7 =	sld [smem:$0x3FB1]  }
0x2d: {  	s3 =	simm.s32 $0x108;
	s8 =	sld [smem:$0x3FB2]  }
0x2e: {  	s3 =	simm.s32 @!p0 $0x1082;
	s9 =	sld [smem:$0x3FB3]  }
0x2f: {  	lr =	sadd.s32 s0, s3;
	s0 =	sld [smem:$0x3FAA]  }
0x30: {  	s3 =	sld [smem:$0x3FAD]  }
0x31: {  	[smem:$0x3FB6] =	sst s10  }
0x32: {  	s10 =	sld [smem:$0x3FB4];
	_ =	sdelay $0x3  }
0x33: {  	p0 =	seq.s32 s10, $0x1;
	s10 =	sld [smem:$0x3FB6];
	_ =	sdelay $0x3  }
0x34: {  	[smem:$0x3FB6] =	sst s10  }
0x35: {  	s10 =	sld [smem:$0x3FB5];
	_ =	sdelay $0x3  }
0x36: {  	p1 =	seq.s32 s10, $0x1;
	s10 =	sld [smem:$0x3FB6];
	_ =	sdelay $0x3  }
0x37: {  	[smem:$0x3FB6] =	sst s10  }
0x38: {  	s10 =	sld [smem:$0x3FB7]  }
0x39: {  	_ = 	snop;
	(pc) =	sbr.ind lr, $3  }
0x3a: {  	_ = 	snop  }
0x3b: {  	_ = 	snop  }
0x3c: {  	p2 =	seq.s32 s10, $0x1;
	s10 =	sld [smem:$0x3FB6]  }
0x3d: {  	_ =	shalt  }
0x3e: {  	_ =	shalt  }
0x3f: {  	_ =	shalt  }
0x40: {  	_ =	shalt  }
0x41: {  	_ =	shalt  }
0x42: {  	_ =	shalt  }
0x43: {  	_ =	shalt  }
0x44: {  	_ =	shalt  }
0x45: {  	_ =	shalt  }
0x46: {  	_ =	shalt  }
0x47: {  	_ =	shalt  }
0x48: {  	_ =	shalt  }
0x49: {  	_ =	shalt  }
0x4a: {  	_ =	shalt  }
0x4b: {  	_ =	shalt  }
0x4c: {  	_ =	shalt  }
0x4d: {  	_ =	shalt  }
0x4e: {  	_ =	shalt  }
0x4f: {  	_ =	shalt  }
0x50: {  	_ =	shalt  }
0x51: {  	_ =	shalt  }
0x52: {  	_ =	shalt  }
0x53: {  	_ =	shalt  }
0x54: {  	_ =	shalt  }
0x55: {  	_ =	shalt  }
0x56: {  	_ =	shalt  }
0x57: {  	_ =	shalt  }
0x58: {  	_ =	shalt  }
0x59: {  	_ =	shalt  }
0x5a: {  	_ =	shalt  }
0x5b: {  	_ =	shalt  }
0x5c: {  	_ =	shalt  }
0x5d: {  	_ =	shalt  }
0x5e: {  	_ =	shalt  }
0x5f: {  	_ =	shalt  }
0x60: {  	_ =	shalt  }
0x61: {  	_ =	shalt  }
0x62: {  	_ =	shalt  }
0x63: {  	_ =	shalt  }
0x64: {  	_ =	shalt  }
0x65: {  	_ =	shalt  }
0x66: {  	_ =	shalt  }
0x67: {  	_ =	shalt  }
0x68: {  	_ =	shalt  }
0x69: {  	_ =	shalt  }
0x6a: {  	_ =	shalt  }
0x6b: {  	_ =	shalt  }
0x6c: {  	_ =	shalt  }
0x6d: {  	_ =	shalt  }
0x6e: {  	_ =	shalt  }
0x6f: {  	_ =	shalt  }
0x70: {  	_ =	shalt  }
0x71: {  	_ =	shalt  }
0x72: {  	_ =	shalt  }
0x73: {  	_ =	shalt  }
0x74: {  	_ =	shalt  }
0x75: {  	_ =	shalt  }
0x76: {  	_ =	shalt  }
0x77: {  	_ =	shalt  }
0x78: {  	_ =	shalt  }
0x79: {  	_ =	shalt  }
0x7a: {  	_ =	shalt  }
0x7b: {  	_ =	shalt  }
0x7c: {  	_ =	shalt  }
0x7d: {  	_ =	shalt  }
0x7e: {  	_ =	shalt  }
0x7f: {  	_ =	shalt  }
0x80: {  	_ =	shalt  }
0x81: {  	_ =	shalt  }
0x82: {  	_ =	shalt  }
0x83: {  	_ =	shalt  }
0x84: {  	_ =	shalt  }
0x85: {  	_ =	shalt  }
0x86: {  	_ =	shalt  }
0x87: {  	_ =	shalt  }
.Lfunc_end0:
.L_simem_size_0:
called_computation_lowered:
.L_overlay_start_0:
0x88: {  	s2 =	sld [smem:$0x3FD9]  }
0x89: {  	s3 =	sld [smem:$0x3FFE];
	_ =	sdelay $0x1  }
0x8a: {  	s1 =	srdreg.scid  }
0x8b: {  	s0 =	sand.u32 $0x1, s1  }
0x8c: {  	s17 =	sshll.u32 s0, $0xA;
	s2 =	sadd.s32 s3, s2  }
0x8d: {  	s2 =	sadd.s32 s2, s17  }
0x8e: {  	[smem:$0x3FC2] =	sst s2  }
0x8f: {  	_ = 	snop  }
0x90: {  	s2 =	sld [smem:$0x3FC9]  }
0x91: {  	s18 =	sld [smem:$0x3FD0];
	(tm) =	ssettm $0x1  }
0x92: {  	s4 =	sld [smem:$0x3FFB];
	_ =	sdelay $0x3  }
0x93: {  	_ =	strace s4  }
0x94: {  	s4 =	sld [smem:$0x3FFC];
	_ =	sdelay $0x3  }
0x95: {  	_ =	strace s4  }
0x96: {  	s4 =	sld [smem:$0x3FFD];
	_ =	sdelay $0x3  }
0x97: {  	_ =	strace s4  }
0x98: {  	_ =	strace $0x8FFFFFFF  }
0x99: {  	s19 =	sld [smem:$0x3FDB];
	_ =	sdelay $0x1  }
0x9a: {  	s5 =	simm.s32 $_scs_section_size  }
0x9b: {  	s6 =	simm.s32 $_size__tile_overlayer_lowered;
	s7 =	simm.s32 $_tile_overlayer_lowered  }
0x9c: {  	s22 =	simm.s32 $0x1BFF;
	s21 =	sshll.u32 s7, $0x1;
	s4 =	sadd.s32 s5, s19  }
0x9d: {  	s8 =	simm.s32 $0x0;
	s20 =	sshll.u32 s6, $0x1;
	s6 =	sadd.s32 s21, s4  }
0x9e: {  	[timem:s8], [sflag:s22] =	dma.local [hbm:s6], s20  }
0x9f: {  	_ =	swait.ge [sflag:s22], s20  }
0xa0: {  	s5 =	ssub.s32 $0x0, s20;
	[sflag:s22] =	ssyncset.done $0x0  }
0xa1: {  	[sflag:s22] =	ssyncadd.s32 s5;
	_ =	sdelay $0x1  }
0xa2: {  	s23 =	simm.s32 $0x1B8B  }
0xa3: {  	_ =	swait.ge [sflag:s23], $0x1  }
0xa4: {  	[sflag:s23] =	ssyncset.done $0x0  }
0xa5: {  	s25 =	simm.s32 $0x1B8E;
	s24 =	sld [smem:$0x3FFE];
	[sflag:s23] =	ssyncadd.s32 $0xFFFFFFFF  }
0xa6: {  	s26 =	simm.s32 $execute0_lowered;
	[smem:$0x3FD2] =	sst s25  }
0xa7: {  	s6 =	sshll.u32 s26, $0x1;
	_ =	strace $0x80000046;
	[dreg:$0x1] =	wrdreg $0xFFFFFFFF  }
0xa8: {  	s28 =	simm.s32 $_size_execute0_lowered;
	s4 =	sadd.s32 s4, s6;
	[dreg:$0x0] =	wrdreg $0x0  }
0xa9: {  	s6 =	sshll.u32 s28, $0x1;
	[dreg:$0x2] =	wrdreg s4  }
0xaa: {  	[dreg:$0x3] =	wrdreg s6  }
0xab: {  	[dreg:$0x4] =	wrdreg $0xC0  }
0xac: {  	_ =	task [dreg:s8], $0x5FFFF  }
0xad: {  	[dreg:$0x1] =	wrdreg $0xFFFFFFFF  }
0xae: {  	[dreg:$0x0] =	wrdreg $0x60  }
0xaf: {  	[dreg:$0x2] =	wrdreg s2  }
0xb0: {  	[dreg:$0x3] =	wrdreg s24  }
0xb1: {  	[dreg:$0x4] =	wrdreg s18  }
0xb2: {  	[dreg:$0x5] =	wrdreg $0x9  }
0xb3: {  	_ =	task.clear_ibuf [dreg:s8], $0x6FFFF;
	_ =	strace $0x90000046  }
0xb4: {  	s29 =	simm.s32 $0x9;
	_ =	strace $0x80000048  }
0xb5: {  	_ =	swait.ge [sflag:s29], $0x1  }
0xb6: {  	[sflag:s29] =	ssyncadd.s32 $0xFFFFFFFF  }
0xb7: {  	_ =	strace $0x90000048  }
0xb8: {  	_ =	sfence  }
0xb9: {  	s30 =	sld [smem:$0x0];
	_ =	sdelay $0x2  }
0xba: {  	s31 =	sshll.u32 s1, $0xD;
	s1 =	sshrl.u32 s1, $0x2  }
0xbb: {  	s3 =	sand.u32 $0x4000, s31;
	s1 =	sadd.s32 s1, s30  }
0xbc: {  	s0 =	sor.u32 s3, s0;
	s1 =	sshll.u32 s1, $0x11  }
0xbd: {  	s0 =	sor.u32 s1, s0  }
0xbe: {  	s0 =	sadd.s32 $0x8F2B, s0  }
0xbf: {  	[sflag:s0] =	ssyncadd.remote.s32 $0x1  }
0xc0: {  	_ =	sfence.sel $0xFFFF  }
0xc1: {  	[dreg:$0x0] =	wrdreg $0xFFFFFFFF;
	(pc) =	sbr.abs _section_cstart, $3  }
0xc2: {  	[dreg:$0x1] =	wrdreg $0xFFFFFFFF  }
0xc3: {  	_ =	task.clear_ibuf [dreg:s8], $0x2FFFF;
	_ =	strace $0x9FFFFFFF  }
0xc4: {  	(tm) =	ssettm $0x7FFFFFFF  }
0xc5: {  	_ =	shalt  }
tec
execute0_lowered:
.L_overlay_start_1:
0x0: {  	(tag) =	ssettag $0x1  }
0x1: {  	s4 =	rddreg [dreg:$0x0]  }
0x2: {  	s1 =	srdreg.scid;
	s5 =	rddreg [dreg:$0x1]  }
0x3: {  	s0 =	stileid.u32;
	s2 =	rddreg [dreg:$0x2];
	s17 =	simm.s32 $0x880  }
0x4: {  	s18 =	simm.s32 $0x1080;
	s19 =	simm.s32 $0x1880;
	s21 =	simm.s32 $0x2080  }
0x5: {  	s22 =	simm.s32 $0x2880;
	s23 =	simm.s32 $0x3080;
	s24 =	simm.s32 $0x3880  }
0x6: {  	s8 =	simm.s32 $0x4080;
	s25 =	simm.s32 $0x4880;
	s1 =	sand.u32 $0x1, s1  }
0x7: {  	s26 =	simm.s32 $0x5080;
	s3 =	sshll.u32 s0, $0x7;
	s6 =	sshll.u32 s1, $0x6  }
0x8: {  	s9 =	simm.s32 $0x80;
	s6 =	sor.u32 s6, s3;
	s3 =	simm.s32 $0x0  }
0x9: {  	s11 =	simm.s32 $0x6080;
	s12 =	simm.s32 $0x6880;
	[smem:$0x7FF] =	sst s3  }
0xa: {  	s13 =	simm.s32 $0x7080;
	_ =	strace $0x80000047;
	[dreg:$0x6] =	wrdreg s17  }
0xb: {  	s14 =	simm.s32 $0x7880;
	s15 =	simm.s32 $0x8080;
	[dreg:$0x7] =	wrdreg s18  }
0xc: {  	s16 =	simm.s32 $0x8880;
	s28 =	simm.s32 $0xE080;
	[dreg:$0x8] =	wrdreg s19  }
0xd: {  	s29 =	simm.s32 $0xE880;
	s30 =	simm.s32 $0xF080;
	[dreg:$0x9] =	wrdreg s21  }
0xe: {  	s31 =	simm.s32 $0xF880;
	s1 =	ssub.s32 $0x2, s1;
	[dreg:$0xa] =	wrdreg s22  }
0xf: {  	s20 =	sshrl.u32 s1, $0x1;
	s7 =	sshrl.u32 s6, $0x3;
	[dreg:$0xb] =	wrdreg s23  }
0x10: {  	s6 =	sshll.u32 s6, $0x7;
	s1 =	ssub.s32 s1, s20;
	[dreg:$0xc] =	wrdreg s24  }
0x11: {  	s20 =	simm.s32 $0xA880;
	s5 =	sadd.s32 s7, s5;
	[dreg:$0xd] =	wrdreg s8  }
0x12: {  	s4 =	sadd.s32 s4, s6;
	s6 =	sadd.s32 $0x300, s2;
	[dreg:$0xe] =	wrdreg s25  }
0x13: {  	s7 =	smax.u32 s1, $0x1;
	s8 =	simm.s32 $0x2;
	[dreg:$0xf] =	wrdreg s26  }
0x14: {  	s17 =	simm.s32 $0x9080;
	s18 =	simm.s32 $0x9880;
	s19 =	simm.s32 $0xA080  }
0x15: {  	s21 =	simm.s32 $0xB080;
	s22 =	simm.s32 $0xB880;
	s23 =	simm.s32 $0xC080  }
0x16: {  	v2 =	vlaneseq.u32;
	s24 =	simm.s32 $0xC880;
	s25 =	simm.s32 $0xD080;
	s26 =	simm.s32 $0xD880  }
0x17: {  	vm0 =	vmmov $0xffff;
	v1 =	vshrl.u32 v2, $0x3;
	s1 =	simm.s32 $0x1;
	s5 =	sadd.s32 $0x1400, s5;
	[dreg:$0x5] =	wrdreg s4  }
0x18: {  	v0 =	vand.u32 $0x7, v2;
	v2 =	vor.u32 $0x8, v2;
	v1 =	vmul.u32 $0x8, v1;
	s4 =	sadd.s32 $0x100, s2;
	[dreg:$0x4] =	wrdreg s5;
	s5 =	sadd.s32 $0x200, s2  }
.LBB2_1:
0x19: {  	s0 =	rddreg [dreg:$0x4]  }
0x1a: {  	[tilespmem:s3], [sflag:$0x2] =	stream.linear.gather [hbm4b:s0+s3], $0x40, $0x38;
	[tilespmem:$0x10080] =	vst v63  }
0x1b: {  	_ =	swait.ge [sflag:s8], $0x40  }
0x1c: {  	[sflag:s8] =	ssyncset.done $0x0  }
0x1d: {  	s10 =	rddreg [dreg:$0x5];
	[sflag:s8] =	ssyncadd.s32 $0xFFFFFFC0  }
0x1e: {  	[tilespmem:s9], [sflag:$0x2] =	stream.linear.gather [hbm4b:s10+s3], $0x10000, $0x38;
	[tilespmem:$0x10080] =	vst v63  }
0x1f: {  	_ =	swait.ge [sflag:s8], $0x10000  }
0x20: {  	[sflag:s8] =	ssyncset.done $0x0  }
0x21: {  	[sflag:s8] =	ssyncadd.s32 $0xFFFF0000  }
0x22: {  	v3 =	vld [tilespmem:$0x0];
	_ =	sdelay $0x4  }
0x23: {  	v4 =	vshll.u32 v3, $0x3  }
0x24: {  	v3 =	vand.u32 $0x7, v3;
	v4 =	vand.u32 $0xFFFFFFC0, v4  }
0x25: {  	v3 =	vor.u32 v3, v4  }
0x26: {  	v4 =	vperm.xlane v3, v0;
	_ =	sdelay $0x1  }
0x27: {  	v4 =	vadd.s32 v1, v4;
	_ =	sdelay $0x4  }
0x28: {  	[hbm4b:s2+s3] =	stream.indirect_vreg.scatter [tilespmem:s9], [sflag:$0x1], $0x80, v4, vm0, $0xb8;
	[tilespmem:$0x10080] =	vst v63  }
0x29: {  	s0 =	rddreg [dreg:$0x6];
	v3 =	vperm.xlane v3, v2  }
0x2a: {  	[hbm4b:s4+s3] =	stream.indirect_vreg.scatter [tilespmem:s0], [sflag:$0x1], $0x80, v4, vm0, $0xb8;
	[tilespmem:$0x10080] =	vst v63  }
0x2b: {  	s10 =	rddreg [dreg:$0x7];
	v3 =	vadd.s32 v1, v3  }
0x2c: {  	[hbm4b:s5+s3] =	stream.indirect_vreg.scatter [tilespmem:s10], [sflag:$0x1], $0x80, v4, vm0, $0xb8;
	[tilespmem:$0x10080] =	vst v63  }
0x2d: {  	s0 =	rddreg [dreg:$0x8]  }
0x2e: {  	[hbm4b:s6+s3] =	stream.indirect_vreg.scatter [tilespmem:s0], [sflag:$0x1], $0x80, v4, vm0, $0xb8;
	[tilespmem:$0x10080] =	vst v63  }
0x2f: {  	s10 =	rddreg [dreg:$0x9]  }
0x30: {  	[hbm4b:s2+s3] =	stream.indirect_vreg.scatter [tilespmem:s10], [sflag:$0x1], $0x80, v3, vm0, $0xb8;
	[tilespmem:$0x10080] =	vst v63  }
0x31: {  	s0 =	rddreg [dreg:$0xa]  }
0x32: {  	[hbm4b:s4+s3] =	stream.indirect_vreg.scatter [tilespmem:s0], [sflag:$0x1], $0x80, v3, vm0, $0xb8;
	[tilespmem:$0x10080] =	vst v63  }
0x33: {  	s10 =	rddreg [dreg:$0xb]  }
0x34: {  	[hbm4b:s5+s3] =	stream.indirect_vreg.scatter [tilespmem:s10], [sflag:$0x1], $0x80, v3, vm0, $0xb8;
	[tilespmem:$0x10080] =	vst v63  }
0x35: {  	s0 =	rddreg [dreg:$0xc]  }
0x36: {  	[hbm4b:s6+s3] =	stream.indirect_vreg.scatter [tilespmem:s0], [sflag:$0x1], $0x80, v3, vm0, $0xb8;
	[tilespmem:$0x10080] =	vst v63  }
0x37: {  	v3 =	vld [tilespmem:$0x10];
	_ =	sdelay $0x4  }
0x38: {  	v61 =	vshll.u32 v3, $0x3  }
0x39: {  	v3 =	vand.u32 $0x7, v3;
	v4 =	vand.u32 $0xFFFFFFC0, v61  }
0x3a: {  	v3 =	vor.u32 v3, v4  }
0x3b: {  	v4 =	vperm.xlane v3, v0;
	_ =	sdelay $0x1  }
0x3c: {  	v4 =	vadd.s32 v1, v4;
	_ =	sdelay $0x3  }
0x3d: {  	s0 =	rddreg [dreg:$0xd]  }
0x3e: {  	[hbm4b:s2+s3] =	stream.indirect_vreg.scatter [tilespmem:s0], [sflag:$0x1], $0x80, v4, vm0, $0xb8;
	[tilespmem:$0x10080] =	vst v63  }
0x3f: {  	s10 =	rddreg [dreg:$0xe];
	v3 =	vperm.xlane v3, v2  }
0x40: {  	[hbm4b:s4+s3] =	stream.indirect_vreg.scatter [tilespmem:s10], [sflag:$0x1], $0x80, v4, vm0, $0xb8;
	[tilespmem:$0x10080] =	vst v63  }
0x41: {  	v3 =	vadd.s32 v1, v3;
	s0 =	rddreg [dreg:$0xf]  }
0x42: {  	[hbm4b:s5+s3] =	stream.indirect_vreg.scatter [tilespmem:s0], [sflag:$0x1], $0x80, v4, vm0, $0xb8;
	[tilespmem:$0x10080] =	vst v63  }
0x43: {  	s10 =	simm.s32 $0x5880  }
0x44: {  	[hbm4b:s6+s3] =	stream.indirect_vreg.scatter [tilespmem:s10], [sflag:$0x1], $0x80, v4, vm0, $0xb8;
	[tilespmem:$0x10080] =	vst v63  }
0x45: {  	_ = 	snop  }
0x46: {  	[hbm4b:s2+s3] =	stream.indirect_vreg.scatter [tilespmem:s11], [sflag:$0x1], $0x80, v3, vm0, $0xb8;
	[tilespmem:$0x10080] =	vst v63  }
0x47: {  	_ = 	snop  }
0x48: {  	[hbm4b:s4+s3] =	stream.indirect_vreg.scatter [tilespmem:s12], [sflag:$0x1], $0x80, v3, vm0, $0xb8;
	[tilespmem:$0x10080] =	vst v63  }
0x49: {  	_ = 	snop  }
0x4a: {  	[hbm4b:s5+s3] =	stream.indirect_vreg.scatter [tilespmem:s13], [sflag:$0x1], $0x80, v3, vm0, $0xb8;
	[tilespmem:$0x10080] =	vst v63  }
0x4b: {  	_ = 	snop  }
0x4c: {  	[hbm4b:s6+s3] =	stream.indirect_vreg.scatter [tilespmem:s14], [sflag:$0x1], $0x80, v3, vm0, $0xb8;
	[tilespmem:$0x10080] =	vst v63  }
0x4d: {  	v3 =	vld [tilespmem:$0x20];
	_ =	sdelay $0x4  }
0x4e: {  	v62 =	vshll.u32 v3, $0x3  }
0x4f: {  	v3 =	vand.u32 $0x7, v3;
	v4 =	vand.u32 $0xFFFFFFC0, v62  }
0x50: {  	v3 =	vor.u32 v3, v4  }
0x51: {  	v4 =	vperm.xlane v3, v0;
	_ =	sdelay $0x1  }
0x52: {  	v4 =	vadd.s32 v1, v4;
	_ =	sdelay $0x4  }
0x53: {  	[hbm4b:s2+s3] =	stream.indirect_vreg.scatter [tilespmem:s15], [sflag:$0x1], $0x80, v4, vm0, $0xb8;
	[tilespmem:$0x10080] =	vst v63  }
0x54: {  	v3 =	vperm.xlane v3, v2  }
0x55: {  	[hbm4b:s4+s3] =	stream.indirect_vreg.scatter [tilespmem:s16], [sflag:$0x1], $0x80, v4, vm0, $0xb8;
	[tilespmem:$0x10080] =	vst v63  }
0x56: {  	v3 =	vadd.s32 v1, v3  }
0x57: {  	[hbm4b:s5+s3] =	stream.indirect_vreg.scatter [tilespmem:s17], [sflag:$0x1], $0x80, v4, vm0, $0xb8;
	[tilespmem:$0x10080] =	vst v63  }
0x58: {  	_ = 	snop  }
0x59: {  	[hbm4b:s6+s3] =	stream.indirect_vreg.scatter [tilespmem:s18], [sflag:$0x1], $0x80, v4, vm0, $0xb8;
	[tilespmem:$0x10080] =	vst v63  }
0x5a: {  	_ = 	snop  }
0x5b: {  	[hbm4b:s2+s3] =	stream.indirect_vreg.scatter [tilespmem:s19], [sflag:$0x1], $0x80, v3, vm0, $0xb8;
	[tilespmem:$0x10080] =	vst v63  }
0x5c: {  	_ = 	snop  }
0x5d: {  	[hbm4b:s4+s3] =	stream.indirect_vreg.scatter [tilespmem:s20], [sflag:$0x1], $0x80, v3, vm0, $0xb8;
	[tilespmem:$0x10080] =	vst v63  }
0x5e: {  	_ = 	snop  }
0x5f: {  	[hbm4b:s5+s3] =	stream.indirect_vreg.scatter [tilespmem:s21], [sflag:$0x1], $0x80, v3, vm0, $0xb8;
	[tilespmem:$0x10080] =	vst v63  }
0x60: {  	_ = 	snop  }
0x61: {  	[hbm4b:s6+s3] =	stream.indirect_vreg.scatter [tilespmem:s22], [sflag:$0x1], $0x80, v3, vm0, $0xb8;
	[tilespmem:$0x10080] =	vst v63  }
0x62: {  	v3 =	vld [tilespmem:$0x30];
	_ =	sdelay $0x4  }
0x63: {  	v63 =	vshll.u32 v3, $0x3  }
0x64: {  	v3 =	vand.u32 $0x7, v3;
	v4 =	vand.u32 $0xFFFFFFC0, v63  }
0x65: {  	v3 =	vor.u32 v3, v4  }
0x66: {  	v4 =	vperm.xlane v3, v0;
	_ =	sdelay $0x1  }
0x67: {  	v4 =	vadd.s32 v1, v4;
	_ =	sdelay $0x4  }
0x68: {  	[hbm4b:s2+s3] =	stream.indirect_vreg.scatter [tilespmem:s23], [sflag:$0x1], $0x80, v4, vm0, $0xb8;
	[tilespmem:$0x10080] =	vst v63  }
0x69: {  	v3 =	vperm.xlane v3, v2  }
0x6a: {  	[hbm4b:s4+s3] =	stream.indirect_vreg.scatter [tilespmem:s24], [sflag:$0x1], $0x80, v4, vm0, $0xb8;
	[tilespmem:$0x10080] =	vst v63  }
0x6b: {  	v3 =	vadd.s32 v1, v3  }
0x6c: {  	[hbm4b:s5+s3] =	stream.indirect_vreg.scatter [tilespmem:s25], [sflag:$0x1], $0x80, v4, vm0, $0xb8;
	[tilespmem:$0x10080] =	vst v63  }
0x6d: {  	_ = 	snop  }
0x6e: {  	[hbm4b:s6+s3] =	stream.indirect_vreg.scatter [tilespmem:s26], [sflag:$0x1], $0x80, v4, vm0, $0xb8;
	[tilespmem:$0x10080] =	vst v63  }
0x6f: {  	_ = 	snop  }
0x70: {  	[hbm4b:s2+s3] =	stream.indirect_vreg.scatter [tilespmem:s28], [sflag:$0x1], $0x80, v3, vm0, $0xb8;
	[tilespmem:$0x10080] =	vst v63  }
0x71: {  	_ = 	snop  }
0x72: {  	[hbm4b:s4+s3] =	stream.indirect_vreg.scatter [tilespmem:s29], [sflag:$0x1], $0x80, v3, vm0, $0xb8;
	[tilespmem:$0x10080] =	vst v63  }
0x73: {  	p0 =	sne.s32 s7, $0x1  }
0x74: {  	[hbm4b:s5+s3] =	stream.indirect_vreg.scatter [tilespmem:s30], [sflag:$0x1], $0x80, v3, vm0, $0xb8;
	[tilespmem:$0x10080] =	vst v63  }
.Ltmp0:
0x75: {  	_ = 	snop;
	(pc) =	sbr.rel @p0 .LBB2_1-.Ltmp0, $4  }
0x76: {  	[hbm4b:s6+s3] =	stream.indirect_vreg.scatter [tilespmem:s31], [sflag:$0x1], $0x80, v3, vm0, $0xb8;
	[tilespmem:$0x10080] =	vst v63  }
0x77: {  	_ =	swait.ge [sflag:s1], $0x10000  }
0x78: {  	[sflag:s1] =	ssyncset.done $0x0  }
0x79: {  	s7 =	sadd.s32 $0xFFFFFFFF, s7;
	[sflag:s1] =	ssyncadd.s32 $0xFFFF0000  }
0x7a: {  	_ =	sfence.sel $0x180000  }
0x7b: {  	[bflag:$0x0] =	sbarrier.arrive $0xFFFF  }
0x7c: {  	_ =	strace $0x90000047  }
0x7d: {  	s0 =	stileid.u32;
	[bflag:$0x2] =	sbarrier.arrive $0xFFFF  }
0x7e: {  	p0 =	sne.s32 s0, $0x0;
	s0 =	rddreg [dreg:$0x3]  }
0x7f: {  	s0 =	sadd.s32 @!p0 $0x100000, s0  }
0x80: {  	[sflag:s0] =	ssyncadd.tile.s32 @!p0 $0x1;
	_ =	shalt  }
.Lfunc_end2:
_tile_overlayer_lowered:
.L_overlay_start_2:
0x81: {  	(tag) =	ssettag $0x2  }
0x82: {  	s0 =	rddreg [dreg:$0x0];
	s2 =	stileid.u32  }
0x83: {  	s1 =	rddreg [dreg:$0x1];
	p0 =	sne.s32 s2, $0x0  }
0x84: {  	s3 =	rddreg [dreg:$0x2];
	[bflag:$0x3] =	sbarrier.arrive $0xFFFF;
	s2 =	simm.s32 @!p0 $0x1C02  }
0x85: {  	[timem:s3], [sflag:s2] =	dma.local @!p0 [hbm:s0], s1  }
0x86: {  	s0 =	simm.s32 @!p0 $0x2  }
0x87: {  	_ =	swait.ge @!p0 [sflag:s0], s1  }
0x88: {  	s1 =	ssub.s32 @!p0 $0x0, s1;
	[sflag:s0] =	ssyncset.done @!p0 $0x0  }
0x89: {  	[sflag:s0] =	ssyncadd.s32 @!p0 s1  }
0x8a: {  	[bflag:$0x3] =	sbarrier.arrive $0xFFFF  }
0x8b: {  	_ =	shalt  }

// kernel: kernel.9.cloned.1.call-start
scs
__scs_entry_jumppad:
0x0: {  	(pc) =	sbr.rel $0x88, $3  }
0x1: {  	(tag) =	ssettag $0x0;
	lr =	simm.s32 $0x1  }
0x2: {  	[smem:$0x3F9B] =	sst lr;
	_ =	strace $0xD0000000  }
0x3: {  	_ = 	snop  }
0x4: {  	_ = 	snop  }
0x5: {  	_ = 	snop  }
0x6: {  	_ = 	snop  }
0x7: {  	_ = 	snop  }
__scs_overlays_trampoline_lowered:
0x8: {  	[smem:$0x3FAA] =	sst s0  }
0x9: {  	[smem:$0x3FAB] =	sst s1  }
0xa: {  	[smem:$0x3FAC] =	sst s2  }
0xb: {  	[smem:$0x3FAD] =	sst s3  }
0xc: {  	[smem:$0x3FAE] =	sst s4  }
0xd: {  	[smem:$0x3FAF] =	sst s5  }
0xe: {  	[smem:$0x3FB0] =	sst s6  }
0xf: {  	[smem:$0x3FB1] =	sst s7  }
0x10: {  	[smem:$0x3FB2] =	sst s8  }
0x11: {  	[smem:$0x3FB3] =	sst s9;
	s0 =	simm.s32 @!p0 $0x0  }
0x12: {  	s1 =	sld [smem:$0x3F99];
	s0 =	simm.s32 @p0 $0x1  }
0x13: {  	[smem:$0x3FB4] =	sst s0;
	s0 =	simm.s32 @!p1 $0x0  }
0x14: {  	s2 =	sld [smem:$0x3F98];
	s0 =	simm.s32 @p1 $0x1  }
0x15: {  	[smem:$0x3FB5] =	sst s0;
	s0 =	simm.s32 @!p2 $0x0  }
0x16: {  	s3 =	sld [smem:$0x3FDB];
	s0 =	simm.s32 @p2 $0x1  }
0x17: {  	s4 =	simm.s32 $0x1BF5;
	[smem:$0x3FB7] =	sst s0  }
0x18: {  	s0 =	sld [smem:$0x3F9A];
	_ =	swait.ge [sflag:s4], $0x0  }
0x19: {  	s7 =	sld [smem:$0x3F9B]  }
0x1a: {  	s8 =	sadd.s32 $0xFFFFE003, lr  }
0x1b: {  	s9 =	sadd.s32 $0xFFFFFEF7, lr;
	s5 =	simm.s32 $0xFFFFFFFF;
	p2 =	slt.u32 s8, $0xFFFFF086  }
0x1c: {  	p1 =	slt.u32 s9, $0xF7A;
	s5 =	simm.s32 @!p2 $0x0  }
0x1d: {  	s5 =	simm.s32 @p1 $0x1;
	p0 =	seq.s32 s7, s2  }
0x1e: {  	s7 =	smul.u32 @!p0 $0xF7A, s2;
	p2 =	seq.s32 @!p0 s5, $0x0  }
0x1f: {  	s9 =	smul.u32 $0xF7A, s1;
	s8 =	simm.s32 @!p0 $0x1BF5;
	p2 =	por !p2, p0  }
0x20: {  	[sflag:s8] =	ssyncset.s32 @!p0 $0xFFFFF086;
	s6 =	sadd.s32 @!p0 s3, s7;
	s7 =	simm.s32 @!p0 $0x108  }
0x21: {  	s3 =	sadd.s32 s3, s9;
	s6 =	sadd.s32 @!p0 $0x88, s6;
	s7 =	simm.s32 @p2 $0x1082  }
0x22: {  	[simem:s7], [sflag:s8] =	dma.local @!p0 [hbm:s6], $0xF7A  }
0x23: {  	s9 =	sor.u32 $0xD0000000, s2;
	s6 =	simm.s32 $0x108;
	_ =	swait.ge @!p0 [sflag:s8], $0x0  }
0x24: {  	s3 =	sadd.s32 $0x88, s3;
	s6 =	simm.s32 @!p1 $0x1082;
	[sflag:s4] =	ssyncset.s32 $0xFFFFF086  }
0x25: {  	[simem:s6], [sflag:s4] =	dma.local [hbm:s3], $0xF7A  }
0x26: {  	[smem:$0x3F9B] =	sst s1;
	(tag) =	ssettag s2;
	_ =	strace s9  }
0x27: {  	s1 =	sld [smem:$0x3FAB]  }
0x28: {  	s2 =	sld [smem:$0x3FAC]  }
0x29: {  	s4 =	sld [smem:$0x3FAE]  }
0x2a: {  	p0 =	seq.s32 s5, $0x0;
	s5 =	sld [smem:$0x3FAF]  }
0x2b: {  	s6 =	sld [smem:$0x3FB0]  }
0x2c: {  	s7 =	sld [smem:$0x3FB1]  }
0x2d: {  	s3 =	simm.s32 $0x108;
	s8 =	sld [smem:$0x3FB2]  }
0x2e: {  	s3 =	simm.s32 @!p0 $0x1082;
	s9 =	sld [smem:$0x3FB3]  }
0x2f: {  	lr =	sadd.s32 s0, s3;
	s0 =	sld [smem:$0x3FAA]  }
0x30: {  	s3 =	sld [smem:$0x3FAD]  }
0x31: {  	[smem:$0x3FB6] =	sst s10  }
0x32: {  	s10 =	sld [smem:$0x3FB4];
	_ =	sdelay $0x3  }
0x33: {  	p0 =	seq.s32 s10, $0x1;
	s10 =	sld [smem:$0x3FB6];
	_ =	sdelay $0x3  }
0x34: {  	[smem:$0x3FB6] =	sst s10  }
0x35: {  	s10 =	sld [smem:$0x3FB5];
	_ =	sdelay $0x3  }
0x36: {  	p1 =	seq.s32 s10, $0x1;
	s10 =	sld [smem:$0x3FB6];
	_ =	sdelay $0x3  }
0x37: {  	[smem:$0x3FB6] =	sst s10  }
0x38: {  	s10 =	sld [smem:$0x3FB7]  }
0x39: {  	_ = 	snop;
	(pc) =	sbr.ind lr, $3  }
0x3a: {  	_ = 	snop  }
0x3b: {  	_ = 	snop  }
0x3c: {  	p2 =	seq.s32 s10, $0x1;
	s10 =	sld [smem:$0x3FB6]  }
0x3d: {  	_ =	shalt  }
0x3e: {  	_ =	shalt  }
0x3f: {  	_ =	shalt  }
0x40: {  	_ =	shalt  }
0x41: {  	_ =	shalt  }
0x42: {  	_ =	shalt  }
0x43: {  	_ =	shalt  }
0x44: {  	_ =	shalt  }
0x45: {  	_ =	shalt  }
0x46: {  	_ =	shalt  }
0x47: {  	_ =	shalt  }
0x48: {  	_ =	shalt  }
0x49: {  	_ =	shalt  }
0x4a: {  	_ =	shalt  }
0x4b: {  	_ =	shalt  }
0x4c: {  	_ =	shalt  }
0x4d: {  	_ =	shalt  }
0x4e: {  	_ =	shalt  }
0x4f: {  	_ =	shalt  }
0x50: {  	_ =	shalt  }
0x51: {  	_ =	shalt  }
0x52: {  	_ =	shalt  }
0x53: {  	_ =	shalt  }
0x54: {  	_ =	shalt  }
0x55: {  	_ =	shalt  }
0x56: {  	_ =	shalt  }
0x57: {  	_ =	shalt  }
0x58: {  	_ =	shalt  }
0x59: {  	_ =	shalt  }
0x5a: {  	_ =	shalt  }
0x5b: {  	_ =	shalt  }
0x5c: {  	_ =	shalt  }
0x5d: {  	_ =	shalt  }
0x5e: {  	_ =	shalt  }
0x5f: {  	_ =	shalt  }
0x60: {  	_ =	shalt  }
0x61: {  	_ =	shalt  }
0x62: {  	_ =	shalt  }
0x63: {  	_ =	shalt  }
0x64: {  	_ =	shalt  }
0x65: {  	_ =	shalt  }
0x66: {  	_ =	shalt  }
0x67: {  	_ =	shalt  }
0x68: {  	_ =	shalt  }
0x69: {  	_ =	shalt  }
0x6a: {  	_ =	shalt  }
0x6b: {  	_ =	shalt  }
0x6c: {  	_ =	shalt  }
0x6d: {  	_ =	shalt  }
0x6e: {  	_ =	shalt  }
0x6f: {  	_ =	shalt  }
0x70: {  	_ =	shalt  }
0x71: {  	_ =	shalt  }
0x72: {  	_ =	shalt  }
0x73: {  	_ =	shalt  }
0x74: {  	_ =	shalt  }
0x75: {  	_ =	shalt  }
0x76: {  	_ =	shalt  }
0x77: {  	_ =	shalt  }
0x78: {  	_ =	shalt  }
0x79: {  	_ =	shalt  }
0x7a: {  	_ =	shalt  }
0x7b: {  	_ =	shalt  }
0x7c: {  	_ =	shalt  }
0x7d: {  	_ =	shalt  }
0x7e: {  	_ =	shalt  }
0x7f: {  	_ =	shalt  }
0x80: {  	_ =	shalt  }
0x81: {  	_ =	shalt  }
0x82: {  	_ =	shalt  }
0x83: {  	_ =	shalt  }
0x84: {  	_ =	shalt  }
0x85: {  	_ =	shalt  }
0x86: {  	_ =	shalt  }
0x87: {  	_ =	shalt  }
.Lfunc_end0:
.L_simem_size_0:
called_computation.1_lowered:
.L_overlay_start_0:
0x88: {  	s2 =	sld [smem:$0x3FD9]  }
0x89: {  	s3 =	sld [smem:$0x3FFE];
	_ =	sdelay $0x1  }
0x8a: {  	s1 =	srdreg.scid  }
0x8b: {  	s0 =	sand.u32 $0x1, s1  }
0x8c: {  	s17 =	sshll.u32 s0, $0xA;
	s2 =	sadd.s32 s3, s2  }
0x8d: {  	s2 =	sadd.s32 s2, s17  }
0x8e: {  	[smem:$0x3FC2] =	sst s2  }
0x8f: {  	_ = 	snop  }
0x90: {  	s2 =	sld [smem:$0x3FD0];
	(tm) =	ssettm $0x1  }
0x91: {  	s18 =	sld [smem:$0x3FFB];
	_ =	sdelay $0x3  }
0x92: {  	_ =	strace s18  }
0x93: {  	s3 =	sld [smem:$0x3FFC];
	_ =	sdelay $0x3  }
0x94: {  	_ =	strace s3  }
0x95: {  	s3 =	sld [smem:$0x3FFD];
	_ =	sdelay $0x3  }
0x96: {  	_ =	strace s3  }
0x97: {  	_ =	strace $0x8FFFFFFF  }
0x98: {  	s19 =	sld [smem:$0x3FDB];
	_ =	sdelay $0x1  }
0x99: {  	s4 =	simm.s32 $_scs_section_size  }
0x9a: {  	s5 =	simm.s32 $_size__tile_overlayer_lowered;
	s6 =	simm.s32 $_tile_overlayer_lowered  }
0x9b: {  	s22 =	simm.s32 $0x1BFF;
	s21 =	sshll.u32 s6, $0x1;
	s3 =	sadd.s32 s4, s19  }
0x9c: {  	s7 =	simm.s32 $0x0;
	s20 =	sshll.u32 s5, $0x1;
	s5 =	sadd.s32 s21, s3  }
0x9d: {  	[timem:s7], [sflag:s22] =	dma.local [hbm:s5], s20  }
0x9e: {  	_ =	swait.ge [sflag:s22], s20  }
0x9f: {  	s4 =	ssub.s32 $0x0, s20;
	[sflag:s22] =	ssyncset.done $0x0  }
0xa0: {  	[sflag:s22] =	ssyncadd.s32 s4;
	_ =	sdelay $0x1  }
0xa1: {  	s23 =	simm.s32 $0x1B8B  }
0xa2: {  	_ =	swait.ge [sflag:s23], $0x1  }
0xa3: {  	[sflag:s23] =	ssyncset.done $0x0  }
0xa4: {  	s25 =	simm.s32 $0x1B8E;
	s24 =	sld [smem:$0x3FFE];
	[sflag:s23] =	ssyncadd.s32 $0xFFFFFFFF  }
0xa5: {  	s26 =	simm.s32 $execute0_lowered;
	[smem:$0x3FD2] =	sst s25  }
0xa6: {  	s5 =	sshll.u32 s26, $0x1;
	_ =	strace $0x80000049;
	[dreg:$0x1] =	wrdreg $0xFFFFFFFF  }
0xa7: {  	s28 =	simm.s32 $_size_execute0_lowered;
	s3 =	sadd.s32 s3, s5;
	[dreg:$0x0] =	wrdreg $0x0  }
0xa8: {  	s5 =	sshll.u32 s28, $0x1;
	[dreg:$0x2] =	wrdreg s3  }
0xa9: {  	[dreg:$0x3] =	wrdreg s5  }
0xaa: {  	[dreg:$0x4] =	wrdreg $0xC0  }
0xab: {  	_ =	task [dreg:s7], $0x5FFFF  }
0xac: {  	[dreg:$0x1] =	wrdreg $0xFFFFFFFF  }
0xad: {  	[dreg:$0x0] =	wrdreg $0x60  }
0xae: {  	[dreg:$0x2] =	wrdreg s24  }
0xaf: {  	[dreg:$0x3] =	wrdreg s2  }
0xb0: {  	[dreg:$0x4] =	wrdreg $0x9  }
0xb1: {  	_ =	task.clear_ibuf [dreg:s7], $0x5FFFF;
	_ =	strace $0x90000049  }
0xb2: {  	s29 =	simm.s32 $0x9;
	_ =	strace $0x8000004B  }
0xb3: {  	_ =	swait.ge [sflag:s29], $0x1  }
0xb4: {  	[sflag:s29] =	ssyncadd.s32 $0xFFFFFFFF  }
0xb5: {  	_ =	strace $0x9000004B  }
0xb6: {  	_ =	sfence  }
0xb7: {  	s30 =	sld [smem:$0x0];
	_ =	sdelay $0x2  }
0xb8: {  	s31 =	sshll.u32 s1, $0xD;
	s1 =	sshrl.u32 s1, $0x2  }
0xb9: {  	s3 =	sand.u32 $0x4000, s31;
	s1 =	sadd.s32 s1, s30  }
0xba: {  	s0 =	sor.u32 s3, s0;
	s1 =	sshll.u32 s1, $0x11  }
0xbb: {  	s0 =	sor.u32 s1, s0  }
0xbc: {  	s0 =	sadd.s32 $0x8F2B, s0  }
0xbd: {  	[sflag:s0] =	ssyncadd.remote.s32 $0x1  }
0xbe: {  	_ =	sfence.sel $0xFFFF  }
0xbf: {  	[dreg:$0x0] =	wrdreg $0xFFFFFFFF;
	(pc) =	sbr.abs _section_cstart, $3  }
0xc0: {  	[dreg:$0x1] =	wrdreg $0xFFFFFFFF  }
0xc1: {  	_ =	task.clear_ibuf [dreg:s7], $0x2FFFF;
	_ =	strace $0x9FFFFFFF  }
0xc2: {  	(tm) =	ssettm $0x7FFFFFFF  }
0xc3: {  	_ =	shalt  }
tec
execute0_lowered:
.L_overlay_start_1:
0x0: {  	(tag) =	ssettag $0x1  }
0x1: {  	s1 =	srdreg.scid  }
0x2: {  	s0 =	stileid.u32;
	s6 =	rddreg [dreg:$0x0]  }
0x3: {  	s4 =	rddreg [dreg:$0x1];
	s18 =	simm.s32 $0x880;
	s19 =	simm.s32 $0x1080  }
0x4: {  	s20 =	simm.s32 $0x1880;
	s22 =	simm.s32 $0x2080;
	s23 =	simm.s32 $0x2880  }
0x5: {  	s7 =	simm.s32 $0x3080;
	s24 =	simm.s32 $0x3880;
	s8 =	simm.s32 $0x4080  }
0x6: {  	s25 =	simm.s32 $0x4880;
	s26 =	simm.s32 $0x5080;
	s1 =	sand.u32 $0x1, s1  }
0x7: {  	s9 =	simm.s32 $0x80;
	s2 =	sshll.u32 s0, $0x7;
	s3 =	sshll.u32 s1, $0x6  }
0x8: {  	s11 =	simm.s32 $0x6080;
	s3 =	sor.u32 s3, s2;
	s2 =	simm.s32 $0x0  }
0x9: {  	s12 =	simm.s32 $0x6880;
	s13 =	simm.s32 $0x7080;
	[smem:$0x7FF] =	sst s2  }
0xa: {  	s14 =	simm.s32 $0x7880;
	_ =	strace $0x8000004A;
	[dreg:$0x5] =	wrdreg s18  }
0xb: {  	s15 =	simm.s32 $0x8080;
	s16 =	simm.s32 $0x8880;
	[dreg:$0x6] =	wrdreg s19  }
0xc: {  	s17 =	simm.s32 $0x9080;
	s28 =	simm.s32 $0xE080;
	[dreg:$0x7] =	wrdreg s20  }
0xd: {  	s29 =	simm.s32 $0xE880;
	s30 =	simm.s32 $0xF080;
	[dreg:$0x8] =	wrdreg s22  }
0xe: {  	s31 =	simm.s32 $0xF880;
	s1 =	ssub.s32 $0x2, s1;
	[dreg:$0x9] =	wrdreg s23  }
0xf: {  	s21 =	sshrl.u32 s1, $0x1;
	s5 =	sshrl.u32 s3, $0x3;
	[dreg:$0xa] =	wrdreg s7  }
0x10: {  	s3 =	sshll.u32 s3, $0x7;
	s1 =	ssub.s32 s1, s21;
	[dreg:$0xb] =	wrdreg s24  }
0x11: {  	s21 =	simm.s32 $0xB080;
	s5 =	sadd.s32 s5, s6;
	[dreg:$0xc] =	wrdreg s8  }
0x12: {  	s3 =	sadd.s32 s4, s3;
	s4 =	sadd.s32 $0x1700, s6;
	[dreg:$0xd] =	wrdreg s25  }
0x13: {  	s7 =	smax.u32 s1, $0x1;
	s8 =	simm.s32 $0x2;
	[dreg:$0xe] =	wrdreg s26  }
0x14: {  	s18 =	simm.s32 $0x9880;
	s19 =	simm.s32 $0xA080;
	s20 =	simm.s32 $0xA880  }
0x15: {  	s22 =	simm.s32 $0xB880;
	s23 =	simm.s32 $0xC080;
	s24 =	simm.s32 $0xC880  }
0x16: {  	v2 =	vlaneseq.u32;
	s25 =	simm.s32 $0xD080;
	s26 =	simm.s32 $0xD880;
	s1 =	simm.s32 $0x1  }
0x17: {  	vm0 =	vmmov $0xffff;
	v1 =	vshrl.u32 v2, $0x3;
	s5 =	sadd.s32 $0x1400, s5;
	[dreg:$0x4] =	wrdreg s3;
	s3 =	sadd.s32 $0x1600, s6  }
0x18: {  	v0 =	vand.u32 $0x7, v2;
	v2 =	vor.u32 $0x8, v2;
	v1 =	vmul.u32 $0x8, v1;
	[dreg:$0x3] =	wrdreg s5;
	s5 =	sadd.s32 $0x1800, s6;
	s6 =	sadd.s32 $0x1900, s6  }
.LBB2_1:
0x19: {  	s0 =	rddreg [dreg:$0x3]  }
0x1a: {  	[tilespmem:s2], [sflag:$0x2] =	stream.linear.gather [hbm4b:s0+s2], $0x40, $0x38;
	[tilespmem:$0x10080] =	vst v63  }
0x1b: {  	_ =	swait.ge [sflag:s8], $0x40  }
0x1c: {  	[sflag:s8] =	ssyncset.done $0x0  }
0x1d: {  	[sflag:s8] =	ssyncadd.s32 $0xFFFFFFC0  }
0x1e: {  	v3 =	vld [tilespmem:$0x0];
	_ =	sdelay $0x4  }
0x1f: {  	v4 =	vshll.u32 v3, $0x3  }
0x20: {  	v3 =	vand.u32 $0x7, v3;
	v4 =	vand.u32 $0xFFFFFFC0, v4  }
0x21: {  	v3 =	vor.u32 v3, v4  }
0x22: {  	v4 =	vperm.xlane v3, v0;
	_ =	sdelay $0x1  }
0x23: {  	v4 =	vadd.s32 v1, v4;
	_ =	sdelay $0x4  }
0x24: {  	[tilespmem:s9], [sflag:$0x1] =	stream.indirect_vreg.gather [hbm4b:s3+s2], $0x80, v4, vm0, $0xb8;
	[tilespmem:$0x10080] =	vst v63  }
0x25: {  	s0 =	rddreg [dreg:$0x5];
	v3 =	vperm.xlane v3, v2  }
0x26: {  	[tilespmem:s0], [sflag:$0x1] =	stream.indirect_vreg.gather [hbm4b:s4+s2], $0x80, v4, vm0, $0xb8;
	[tilespmem:$0x10080] =	vst v63  }
0x27: {  	s10 =	rddreg [dreg:$0x6];
	v3 =	vadd.s32 v1, v3  }
0x28: {  	[tilespmem:s10], [sflag:$0x1] =	stream.indirect_vreg.gather [hbm4b:s5+s2], $0x80, v4, vm0, $0xb8;
	[tilespmem:$0x10080] =	vst v63  }
0x29: {  	s0 =	rddreg [dreg:$0x7]  }
0x2a: {  	[tilespmem:s0], [sflag:$0x1] =	stream.indirect_vreg.gather [hbm4b:s6+s2], $0x80, v4, vm0, $0xb8;
	[tilespmem:$0x10080] =	vst v63  }
0x2b: {  	s10 =	rddreg [dreg:$0x8]  }
0x2c: {  	[tilespmem:s10], [sflag:$0x1] =	stream.indirect_vreg.gather [hbm4b:s3+s2], $0x80, v3, vm0, $0xb8;
	[tilespmem:$0x10080] =	vst v63  }
0x2d: {  	s0 =	rddreg [dreg:$0x9]  }
0x2e: {  	[tilespmem:s0], [sflag:$0x1] =	stream.indirect_vreg.gather [hbm4b:s4+s2], $0x80, v3, vm0, $0xb8;
	[tilespmem:$0x10080] =	vst v63  }
0x2f: {  	s10 =	rddreg [dreg:$0xa]  }
0x30: {  	[tilespmem:s10], [sflag:$0x1] =	stream.indirect_vreg.gather [hbm4b:s5+s2], $0x80, v3, vm0, $0xb8;
	[tilespmem:$0x10080] =	vst v63  }
0x31: {  	s0 =	rddreg [dreg:$0xb]  }
0x32: {  	[tilespmem:s0], [sflag:$0x1] =	stream.indirect_vreg.gather [hbm4b:s6+s2], $0x80, v3, vm0, $0xb8;
	[tilespmem:$0x10080] =	vst v63  }
0x33: {  	v3 =	vld [tilespmem:$0x10];
	_ =	sdelay $0x4  }
0x34: {  	v61 =	vshll.u32 v3, $0x3  }
0x35: {  	v3 =	vand.u32 $0x7, v3;
	v4 =	vand.u32 $0xFFFFFFC0, v61  }
0x36: {  	v3 =	vor.u32 v3, v4  }
0x37: {  	v4 =	vperm.xlane v3, v0;
	_ =	sdelay $0x1  }
0x38: {  	v4 =	vadd.s32 v1, v4;
	_ =	sdelay $0x3  }
0x39: {  	s0 =	rddreg [dreg:$0xc]  }
0x3a: {  	[tilespmem:s0], [sflag:$0x1] =	stream.indirect_vreg.gather [hbm4b:s3+s2], $0x80, v4, vm0, $0xb8;
	[tilespmem:$0x10080] =	vst v63  }
0x3b: {  	s10 =	rddreg [dreg:$0xd];
	v3 =	vperm.xlane v3, v2  }
0x3c: {  	[tilespmem:s10], [sflag:$0x1] =	stream.indirect_vreg.gather [hbm4b:s4+s2], $0x80, v4, vm0, $0xb8;
	[tilespmem:$0x10080] =	vst v63  }
0x3d: {  	v3 =	vadd.s32 v1, v3;
	s0 =	rddreg [dreg:$0xe]  }
0x3e: {  	[tilespmem:s0], [sflag:$0x1] =	stream.indirect_vreg.gather [hbm4b:s5+s2], $0x80, v4, vm0, $0xb8;
	[tilespmem:$0x10080] =	vst v63  }
0x3f: {  	s10 =	simm.s32 $0x5880  }
0x40: {  	[tilespmem:s10], [sflag:$0x1] =	stream.indirect_vreg.gather [hbm4b:s6+s2], $0x80, v4, vm0, $0xb8;
	[tilespmem:$0x10080] =	vst v63  }
0x41: {  	_ = 	snop  }
0x42: {  	[tilespmem:s11], [sflag:$0x1] =	stream.indirect_vreg.gather [hbm4b:s3+s2], $0x80, v3, vm0, $0xb8;
	[tilespmem:$0x10080] =	vst v63  }
0x43: {  	_ = 	snop  }
0x44: {  	[tilespmem:s12], [sflag:$0x1] =	stream.indirect_vreg.gather [hbm4b:s4+s2], $0x80, v3, vm0, $0xb8;
	[tilespmem:$0x10080] =	vst v63  }
0x45: {  	_ = 	snop  }
0x46: {  	[tilespmem:s13], [sflag:$0x1] =	stream.indirect_vreg.gather [hbm4b:s5+s2], $0x80, v3, vm0, $0xb8;
	[tilespmem:$0x10080] =	vst v63  }
0x47: {  	_ = 	snop  }
0x48: {  	[tilespmem:s14], [sflag:$0x1] =	stream.indirect_vreg.gather [hbm4b:s6+s2], $0x80, v3, vm0, $0xb8;
	[tilespmem:$0x10080] =	vst v63  }
0x49: {  	v3 =	vld [tilespmem:$0x20];
	_ =	sdelay $0x4  }
0x4a: {  	v62 =	vshll.u32 v3, $0x3  }
0x4b: {  	v3 =	vand.u32 $0x7, v3;
	v4 =	vand.u32 $0xFFFFFFC0, v62  }
0x4c: {  	v3 =	vor.u32 v3, v4  }
0x4d: {  	v4 =	vperm.xlane v3, v0;
	_ =	sdelay $0x1  }
0x4e: {  	v4 =	vadd.s32 v1, v4;
	_ =	sdelay $0x4  }
0x4f: {  	[tilespmem:s15], [sflag:$0x1] =	stream.indirect_vreg.gather [hbm4b:s3+s2], $0x80, v4, vm0, $0xb8;
	[tilespmem:$0x10080] =	vst v63  }
0x50: {  	v3 =	vperm.xlane v3, v2  }
0x51: {  	[tilespmem:s16], [sflag:$0x1] =	stream.indirect_vreg.gather [hbm4b:s4+s2], $0x80, v4, vm0, $0xb8;
	[tilespmem:$0x10080] =	vst v63  }
0x52: {  	v3 =	vadd.s32 v1, v3  }
0x53: {  	[tilespmem:s17], [sflag:$0x1] =	stream.indirect_vreg.gather [hbm4b:s5+s2], $0x80, v4, vm0, $0xb8;
	[tilespmem:$0x10080] =	vst v63  }
0x54: {  	_ = 	snop  }
0x55: {  	[tilespmem:s18], [sflag:$0x1] =	stream.indirect_vreg.gather [hbm4b:s6+s2], $0x80, v4, vm0, $0xb8;
	[tilespmem:$0x10080] =	vst v63  }
0x56: {  	_ = 	snop  }
0x57: {  	[tilespmem:s19], [sflag:$0x1] =	stream.indirect_vreg.gather [hbm4b:s3+s2], $0x80, v3, vm0, $0xb8;
	[tilespmem:$0x10080] =	vst v63  }
0x58: {  	_ = 	snop  }
0x59: {  	[tilespmem:s20], [sflag:$0x1] =	stream.indirect_vreg.gather [hbm4b:s4+s2], $0x80, v3, vm0, $0xb8;
	[tilespmem:$0x10080] =	vst v63  }
0x5a: {  	_ = 	snop  }
0x5b: {  	[tilespmem:s21], [sflag:$0x1] =	stream.indirect_vreg.gather [hbm4b:s5+s2], $0x80, v3, vm0, $0xb8;
	[tilespmem:$0x10080] =	vst v63  }
0x5c: {  	_ = 	snop  }
0x5d: {  	[tilespmem:s22], [sflag:$0x1] =	stream.indirect_vreg.gather [hbm4b:s6+s2], $0x80, v3, vm0, $0xb8;
	[tilespmem:$0x10080] =	vst v63  }
0x5e: {  	v3 =	vld [tilespmem:$0x30];
	_ =	sdelay $0x4  }
0x5f: {  	v63 =	vshll.u32 v3, $0x3  }
0x60: {  	v3 =	vand.u32 $0x7, v3;
	v4 =	vand.u32 $0xFFFFFFC0, v63  }
0x61: {  	v3 =	vor.u32 v3, v4  }
0x62: {  	v4 =	vperm.xlane v3, v0;
	_ =	sdelay $0x1  }
0x63: {  	v4 =	vadd.s32 v1, v4;
	_ =	sdelay $0x4  }
0x64: {  	[tilespmem:s23], [sflag:$0x1] =	stream.indirect_vreg.gather [hbm4b:s3+s2], $0x80, v4, vm0, $0xb8;
	[tilespmem:$0x10080] =	vst v63  }
0x65: {  	v3 =	vperm.xlane v3, v2  }
0x66: {  	[tilespmem:s24], [sflag:$0x1] =	stream.indirect_vreg.gather [hbm4b:s4+s2], $0x80, v4, vm0, $0xb8;
	[tilespmem:$0x10080] =	vst v63  }
0x67: {  	v3 =	vadd.s32 v1, v3  }
0x68: {  	[tilespmem:s25], [sflag:$0x1] =	stream.indirect_vreg.gather [hbm4b:s5+s2], $0x80, v4, vm0, $0xb8;
	[tilespmem:$0x10080] =	vst v63  }
0x69: {  	_ = 	snop  }
0x6a: {  	[tilespmem:s26], [sflag:$0x1] =	stream.indirect_vreg.gather [hbm4b:s6+s2], $0x80, v4, vm0, $0xb8;
	[tilespmem:$0x10080] =	vst v63  }
0x6b: {  	_ = 	snop  }
0x6c: {  	[tilespmem:s28], [sflag:$0x1] =	stream.indirect_vreg.gather [hbm4b:s3+s2], $0x80, v3, vm0, $0xb8;
	[tilespmem:$0x10080] =	vst v63  }
0x6d: {  	_ = 	snop  }
0x6e: {  	[tilespmem:s29], [sflag:$0x1] =	stream.indirect_vreg.gather [hbm4b:s4+s2], $0x80, v3, vm0, $0xb8;
	[tilespmem:$0x10080] =	vst v63  }
0x6f: {  	_ = 	snop  }
0x70: {  	[tilespmem:s30], [sflag:$0x1] =	stream.indirect_vreg.gather [hbm4b:s5+s2], $0x80, v3, vm0, $0xb8;
	[tilespmem:$0x10080] =	vst v63  }
0x71: {  	_ = 	snop  }
0x72: {  	[tilespmem:s31], [sflag:$0x1] =	stream.indirect_vreg.gather [hbm4b:s6+s2], $0x80, v3, vm0, $0xb8;
	[tilespmem:$0x10080] =	vst v63  }
0x73: {  	_ =	swait.ge [sflag:s1], $0x10000  }
0x74: {  	p0 =	sne.s32 s7, $0x1;
	[sflag:s1] =	ssyncset.done $0x0  }
.Ltmp0:
0x75: {  	s10 =	rddreg [dreg:$0x4];
	[sflag:s1] =	ssyncadd.s32 $0xFFFF0000;
	(pc) =	sbr.rel @p0 .LBB2_1-.Ltmp0, $4  }
0x76: {  	[hbm4b:s10+s2] =	stream.linear.scatter [tilespmem:s9], [sflag:$0x2], $0x10000, $0x38;
	[tilespmem:$0x10080] =	vst v63  }
0x77: {  	_ =	swait.ge [sflag:s8], $0x10000  }
0x78: {  	[sflag:s8] =	ssyncset.done $0x0  }
0x79: {  	s7 =	sadd.s32 $0xFFFFFFFF, s7;
	[sflag:s8] =	ssyncadd.s32 $0xFFFF0000  }
0x7a: {  	_ =	sfence.sel $0x180000  }
0x7b: {  	[bflag:$0x0] =	sbarrier.arrive $0xFFFF  }
0x7c: {  	_ =	strace $0x9000004A  }
0x7d: {  	s0 =	stileid.u32;
	[bflag:$0x2] =	sbarrier.arrive $0xFFFF  }
0x7e: {  	p0 =	sne.s32 s0, $0x0;
	s0 =	rddreg [dreg:$0x2]  }
0x7f: {  	s0 =	sadd.s32 @!p0 $0x100000, s0  }
0x80: {  	[sflag:s0] =	ssyncadd.tile.s32 @!p0 $0x1;
	_ =	shalt  }
.Lfunc_end2:
_tile_overlayer_lowered:
.L_overlay_start_2:
0x81: {  	(tag) =	ssettag $0x2  }
0x82: {  	s0 =	rddreg [dreg:$0x0];
	s2 =	stileid.u32  }
0x83: {  	s1 =	rddreg [dreg:$0x1];
	p0 =	sne.s32 s2, $0x0  }
0x84: {  	s3 =	rddreg [dreg:$0x2];
	[bflag:$0x3] =	sbarrier.arrive $0xFFFF;
	s2 =	simm.s32 @!p0 $0x1C02  }
0x85: {  	[timem:s3], [sflag:s2] =	dma.local @!p0 [hbm:s0], s1  }
0x86: {  	s0 =	simm.s32 @!p0 $0x2  }
0x87: {  	_ =	swait.ge @!p0 [sflag:s0], s1  }
0x88: {  	s1 =	ssub.s32 @!p0 $0x0, s1;
	[sflag:s0] =	ssyncset.done @!p0 $0x0  }
0x89: {  	[sflag:s0] =	ssyncadd.s32 @!p0 s1  }
0x8a: {  	[bflag:$0x3] =	sbarrier.arrive $0xFFFF  }
0x8b: {  	_ =	shalt  }

</sc_bundles>
